<compile_context>
chip_gen: v7x
topology: tpu7x:2x2x1
jax: 0.10.2.dev20260603
libtpu: 0.0.44.dev20260713+nightly
codegen_flags: <defaults>
</compile_context>

<pallas_src>
import functools

import jax
import jax.numpy as jnp
from jax import lax
from jax.experimental import pallas as pl
from jax.experimental.pallas import tpu as pltpu
from jax.experimental.pallas import tpu_sc as plsc

N_MESH = 10000
N_GRID = 50000
N_EDGES = 320000
D = 128

NC = 2
NS = 16
NW = NC * NS

EC = 80



def _matmul_body(x_ref, w_ref, o_ref):
    o_ref[...] = jnp.dot(x_ref[...], w_ref[...],
                         preferred_element_type=jnp.float32)


def _rowblock_matmul(x, w, bm):
    m, k = x.shape
    n = w.shape[1]
    return pl.pallas_call(
        _matmul_body,
        grid=(m // bm,),
        in_specs=[pl.BlockSpec((bm, k), lambda i: (i, 0)),
                  pl.BlockSpec((k, n), lambda i: (0, 0))],
        out_specs=pl.BlockSpec((bm, n), lambda i: (i, 0)),
        out_shape=jax.ShapeDtypeStruct((m, n), jnp.float32),
    )(x, w)


def _edge_mlp_body(x_ref, g_ref, w1_ref, b1_ref, w2_ref, b2_ref,
                   gm_ref, bt_ref, o_ref):
    h = jnp.dot(x_ref[...], w1_ref[...],
                preferred_element_type=jnp.float32)
    h = h + g_ref[...] + b1_ref[...]
    h = h * jax.nn.sigmoid(h)
    h = jnp.dot(h, w2_ref[...],
                preferred_element_type=jnp.float32) + b2_ref[...]
    mu = jnp.mean(h, axis=-1, keepdims=True)
    var = jnp.mean((h - mu) ** 2, axis=-1, keepdims=True)
    h = (h - mu) * lax.rsqrt(var + 1e-5)
    o_ref[...] = h * gm_ref[...] + bt_ref[...]


def _edge_mlp(m2g, gsum, w1a, b1, w2, b2, gm, bt, bm):
    m = m2g.shape[0]
    vec = lambda i: (0, 0)
    return pl.pallas_call(
        _edge_mlp_body,
        grid=(m // bm,),
        in_specs=[pl.BlockSpec((bm, D), lambda i: (i, 0)),
                  pl.BlockSpec((bm, D), lambda i: (i, 0)),
                  pl.BlockSpec((D, D), vec),
                  pl.BlockSpec((1, D), vec),
                  pl.BlockSpec((D, D), vec),
                  pl.BlockSpec((1, D), vec),
                  pl.BlockSpec((1, D), vec),
                  pl.BlockSpec((1, D), vec)],
        out_specs=pl.BlockSpec((bm, D), lambda i: (i, 0)),
        out_shape=jax.ShapeDtypeStruct((m, D), jnp.float32),
    )(m2g, gsum, w1a, b1, w2, b2, gm, bt)


def _node_mlp_body(a_ref, gn_ref, wa_ref, wg_ref, b1_ref, w2_ref, b2_ref,
                   gm_ref, bt_ref, o_ref):
    h = jnp.dot(a_ref[...], wa_ref[...],
                preferred_element_type=jnp.float32)
    h = h + jnp.dot(gn_ref[...], wg_ref[...],
                    preferred_element_type=jnp.float32)
    h = h + b1_ref[...]
    h = h * jax.nn.sigmoid(h)
    h = jnp.dot(h, w2_ref[...],
                preferred_element_type=jnp.float32) + b2_ref[...]
    mu = jnp.mean(h, axis=-1, keepdims=True)
    var = jnp.mean((h - mu) ** 2, axis=-1, keepdims=True)
    h = (h - mu) * lax.rsqrt(var + 1e-5)
    o_ref[...] = h * gm_ref[...] + bt_ref[...] + gn_ref[...]


def _node_mlp(agg_pad, gn, wa, wg, b1, w2, b2, gm, bt, bm):
    vec = lambda i: (0, 0)
    return pl.pallas_call(
        _node_mlp_body,
        grid=(N_GRID // bm,),
        in_specs=[pl.BlockSpec((bm, D), lambda i: (i, 0)),
                  pl.BlockSpec((bm, D), lambda i: (i, 0)),
                  pl.BlockSpec((D, D), vec),
                  pl.BlockSpec((D, D), vec),
                  pl.BlockSpec((1, D), vec),
                  pl.BlockSpec((D, D), vec),
                  pl.BlockSpec((1, D), vec),
                  pl.BlockSpec((1, D), vec),
                  pl.BlockSpec((1, D), vec)],
        out_specs=pl.BlockSpec((bm, D), lambda i: (i, 0)),
        out_shape=jax.ShapeDtypeStruct((N_GRID, D), jnp.float32),
    )(agg_pad, gn, wa, wg, b1, w2, b2, gm, bt)



GW = 400
NWIN = N_GRID // GW
ECK = 1024
NTH = 640
RPB = 512


def _rowptr_body(d_ref, o_ref):
    i = pl.program_id(0)

    @pl.when(i == 0)
    def _():
        o_ref[...] = jnp.zeros_like(o_ref)

    th = lax.broadcasted_iota(jnp.int32, (1, NTH), 1) * GW
    cnt = jnp.zeros((1, NTH), jnp.int32)
    for j in range(5):
        d = d_ref[j].reshape(RPB, 1)
        cnt += jnp.sum((d < th).astype(jnp.int32), axis=0, keepdims=True)
    o_ref[...] += cnt


def _tc_rowptr(dst):
    d2 = dst.reshape(N_EDGES // RPB, 1, RPB)
    return pl.pallas_call(
        _rowptr_body,
        grid=(N_EDGES // (5 * RPB),),
        in_specs=[pl.BlockSpec((5, 1, RPB), lambda i: (i, 0, 0))],
        out_specs=pl.BlockSpec((1, NTH), lambda i: (0, 0)),
        out_shape=jax.ShapeDtypeStruct((1, NTH), jnp.int32),
    )(d2)


def _segsum_body(rp_ref, ef_hbm, d_hbm, o_ref, acc,
                 ebuf0, ebuf1, dbuf0, dbuf1, es0, es1, ds0, ds1):
    g = pl.program_id(0)
    lo = rp_ref[0, g]
    hi = rp_ref[0, g + 1]
    gbase = g * GW
    wio = lax.broadcasted_iota(jnp.int32, (GW, 128), 0)
    lio = lax.broadcasted_iota(jnp.int32, (1, 128), 1)
    pos0 = (lo // 128) * 128
    acc[...] = jnp.zeros((GW, D), jnp.float32)
    ebufs, dbufs = (ebuf0, ebuf1), (dbuf0, dbuf1)
    esems, dsems = (es0, es1), (ds0, ds1)

    def start(pos, b):
        pos_r = jnp.minimum(pos, N_EDGES - ECK)
        pltpu.make_async_copy(
            ef_hbm.at[pl.ds(pos_r, ECK)], ebufs[b], esems[b]).start()
        pltpu.make_async_copy(
            d_hbm.at[pl.ds(pos_r // 128, ECK // 128)], dbufs[b], dsems[b]).start()

    @pl.when(pos0 < hi)
    def _():
        start(pos0, 0)

    def cond(state):
        return state[0] < hi

    def body(state):
        pos, it = state
        pos_r = jnp.minimum(pos, N_EDGES - ECK)
        nxt = pos_r + ECK

        def process(b):
            pltpu.make_async_copy(
                ef_hbm.at[pl.ds(pos_r, ECK)], ebufs[b], esems[b]).wait()
            pltpu.make_async_copy(
                d_hbm.at[pl.ds(pos_r // 128, ECK // 128)], dbufs[b],
                dsems[b]).wait()

            @pl.when(nxt < hi)
            def _():
                start(nxt, 1 - b)

            for h in range(ECK // 128):
                dv = dbufs[b][h, :].reshape(1, 128)
                ev = lio + (pos_r + h * 128)
                valid = (dv - gbase == wio) & (ev >= pos)
                oh = valid.astype(jnp.float32)
                acc[...] += jnp.dot(oh, ebufs[b][pl.ds(h * 128, 128), :],
                                    preferred_element_type=jnp.float32)

        @pl.when(it % 2 == 0)
        def _():
            process(0)

        @pl.when(it % 2 == 1)
        def _():
            process(1)

        return (nxt, it + 1)

    lax.while_loop(cond, body, (pos0, 0))
    o_ref[...] = acc[...]


def _tc_segment_sum(efeat, dst, rowptr):
    d2 = dst.reshape(N_EDGES // 128, 128)
    return pl.pallas_call(
        _segsum_body,
        grid=(NWIN,),
        in_specs=[pl.BlockSpec(memory_space=pltpu.SMEM),
                  pl.BlockSpec(memory_space=pltpu.HBM),
                  pl.BlockSpec(memory_space=pltpu.HBM)],
        out_specs=pl.BlockSpec((GW, D), lambda g: (g, 0)),
        out_shape=jax.ShapeDtypeStruct((N_GRID, D), jnp.float32),
        scratch_shapes=[pltpu.VMEM((GW, D), jnp.float32),
                        pltpu.VMEM((ECK, D), jnp.float32),
                        pltpu.VMEM((ECK, D), jnp.float32),
                        pltpu.VMEM((ECK // 128, 128), jnp.int32),
                        pltpu.VMEM((ECK // 128, 128), jnp.int32),
                        pltpu.SemaphoreType.DMA,
                        pltpu.SemaphoreType.DMA,
                        pltpu.SemaphoreType.DMA,
                        pltpu.SemaphoreType.DMA],
    )(rowptr, efeat, d2)



def _sc_gather_sum(meshp, gridp, src, dst):
    n_per_w = N_EDGES // NW
    ncheck = n_per_w // EC
    mesh_sc = plsc.VectorSubcoreMesh(core_axis_name="c", subcore_axis_name="s")

    @functools.partial(
        pl.kernel,
        mesh=mesh_sc,
        out_type=jax.ShapeDtypeStruct((N_EDGES, D), jnp.float32),
        scratch_types=[
            pltpu.VMEM((EC,), jnp.int32),
            pltpu.VMEM((EC,), jnp.int32),
            pltpu.VMEM((EC, D), jnp.float32),
            pltpu.VMEM((EC, D), jnp.float32),
            pltpu.VMEM((EC,), jnp.int32),
            pltpu.VMEM((EC,), jnp.int32),
            pltpu.VMEM((EC, D), jnp.float32),
            pltpu.VMEM((EC, D), jnp.float32),
            pltpu.SemaphoreType.DMA,
            pltpu.SemaphoreType.DMA,
            pltpu.SemaphoreType.DMA,
            pltpu.SemaphoreType.DMA,
        ],
    )
    def k(meshp_hbm, gridp_hbm, src_hbm, dst_hbm, out_hbm,
          i1a, i2a, r1a, r2a, i1b, i2b, r1b, r2b, s1a, s2a, s1b, s2b):
        wid = lax.axis_index("s") * NC + lax.axis_index("c")
        base = wid * n_per_w

        def fetch(pos, i1, i2, r1, r2, s1, s2):
            pltpu.sync_copy(src_hbm.at[pl.ds(pos, EC)], i1)
            pltpu.sync_copy(dst_hbm.at[pl.ds(pos, EC)], i2)
            pltpu.async_copy(meshp_hbm.at[i1], r1, s1)
            pltpu.async_copy(gridp_hbm.at[i2], r2, s2)

        def finish(pos, i1, i2, r1, r2, s1, s2):
            pltpu.make_async_copy(meshp_hbm.at[i1], r1, s1).wait()
            pltpu.make_async_copy(gridp_hbm.at[i2], r2, s2).wait()

            def addrow(r, c):
                for v in range(D // 16):
                    sl = pl.ds(v * 16, 16)
                    r1[r, sl] = r1[r, sl] + r2[r, sl]
                return c

            lax.fori_loop(0, EC, addrow, 0)
            pltpu.sync_copy(r1, out_hbm.at[pl.ds(pos, EC)])

        fetch(base, i1a, i2a, r1a, r2a, s1a, s2a)

        def pair(k2, carry):
            pa = base + (2 * k2) * EC
            fetch(pa + EC, i1b, i2b, r1b, r2b, s1b, s2b)
            finish(pa, i1a, i2a, r1a, r2a, s1a, s2a)
            fetch(pa + 2 * EC, i1a, i2a, r1a, r2a, s1a, s2a)
            finish(pa + EC, i1b, i2b, r1b, r2b, s1b, s2b)
            return carry

        lax.fori_loop(0, (ncheck - 1) // 2, pair, 0)
        finish(base + (ncheck - 1) * EC, i1a, i2a, r1a, r2a, s1a, s2a)

    return k(meshp, gridp, src, dst)



def kernel(m2g_efeat, grid_nfeat, mesh_nfeat, src, dst,
           eW1, eb1, eW2, eb2, eg, ebeta,
           nW1, nb1, nW2, nb2, ng, nbeta):
    src = src.astype(jnp.int32)
    dst = dst.astype(jnp.int32)
    w_e = eW1[:D]
    w_m = eW1[D:2 * D]
    w_g = eW1[2 * D:]
    mesh_proj = _rowblock_matmul(mesh_nfeat, w_m, bm=400)
    grid_proj = _rowblock_matmul(grid_nfeat, w_g, bm=1000)
    gsum = _sc_gather_sum(mesh_proj, grid_proj, src, dst)
    efeat = _edge_mlp(m2g_efeat, gsum, w_e,
                      eb1.reshape(1, D), eW2, eb2.reshape(1, D),
                      eg.reshape(1, D), ebeta.reshape(1, D), bm=512)
    rowptr = _tc_rowptr(dst)
    agg = _tc_segment_sum(efeat, dst, rowptr)
    out = _node_mlp(agg, grid_nfeat, nW1[:D], nW1[D:],
                    nb1.reshape(1, D), nW2, nb2.reshape(1, D),
                    ng.reshape(1, D), nbeta.reshape(1, D), bm=1000)
    return out

# --- scband reference (transcript-rebuilt; emitter-appended) ---
"""Pipeline reference for scband-decoder-dglconcat-42777874268716 (READ-ONLY COPY).

The authoritative reference and input builder live on the scoring server;
editing this copy changes nothing except your own understanding.
"""

import jax, jax.numpy as jnp
import numpy as np

N_MESH = 10000
N_GRID = 50000
N_EDGES = 320000
D = 128

def _mlp(x, W1, b1, W2, b2, gamma, beta):
    h = x @ W1 + b1
    h = h * jax.nn.sigmoid(h)  # SiLU
    h = h @ W2 + b2
    mu = jnp.mean(h, axis=-1, keepdims=True)
    var = jnp.var(h, axis=-1, keepdims=True)
    h = (h - mu) / jnp.sqrt(var + 1e-5)
    return h * gamma + beta

def setup_inputs(seed: int = 0):
    key = jax.random.key(seed)
    ks = jax.random.split(key, 20)
    s = 0.05
    inp = {}
    inp['m2g_efeat'] = jax.random.normal(ks[0], (N_EDGES, D), dtype=jnp.float32)
    inp['grid_nfeat'] = jax.random.normal(ks[1], (N_GRID, D), dtype=jnp.float32)
    inp['mesh_nfeat'] = jax.random.normal(ks[2], (N_MESH, D), dtype=jnp.float32)
    inp['src'] = jax.random.randint(ks[3], (N_EDGES,), 0, N_MESH)
    inp['dst'] = jnp.sort(jax.random.randint(ks[4], (N_EDGES,), 0, N_GRID))
    # edge MLP params: in = src+dst+edge = 3*D -> hidden D -> out D, LayerNorm(D)
    inp['eW1'] = jax.random.normal(ks[5], (3 * D, D), dtype=jnp.float32) * s
    inp['eb1'] = jnp.zeros((D,), dtype=jnp.float32)
    inp['eW2'] = jax.random.normal(ks[6], (D, D), dtype=jnp.float32) * s
    inp['eb2'] = jnp.zeros((D,), dtype=jnp.float32)
    inp['eg'] = jnp.ones((D,), dtype=jnp.float32)
    inp['ebeta'] = jnp.zeros((D,), dtype=jnp.float32)
    # node MLP params: in = dst+edge_out = 2*D -> hidden D -> out D, LayerNorm(D)
    inp['nW1'] = jax.random.normal(ks[7], (2 * D, D), dtype=jnp.float32) * s
    inp['nb1'] = jnp.zeros((D,), dtype=jnp.float32)
    inp['nW2'] = jax.random.normal(ks[8], (D, D), dtype=jnp.float32) * s
    inp['nb2'] = jnp.zeros((D,), dtype=jnp.float32)
    inp['ng'] = jnp.ones((D,), dtype=jnp.float32)
    inp['nbeta'] = jnp.zeros((D,), dtype=jnp.float32)
    return inp

def reference(m2g_efeat, grid_nfeat, mesh_nfeat, src, dst, eW1, eb1, eW2, eb2, eg, ebeta, nW1, nb1, nW2, nb2, ng, nbeta):
    # concat_efeat_dgl_m2g_g2m: gather src (mesh) and dst (grid) node feats per edge
    cat_e = jnp.concatenate([m2g_efeat, jnp.take(mesh_nfeat, src, axis=0), jnp.take(grid_nfeat, dst, axis=0)], axis=-1)
    efeat = _mlp(cat_e, eW1, eb1, eW2, eb2, eg, ebeta)
    # agg_concat_dgl: sum-aggregate edge feats onto dst (grid) nodes, concat with grid feats
    agg = jax.ops.segment_sum(efeat, dst, num_segments=N_GRID)
    cat_n = jnp.concatenate([agg, grid_nfeat], axis=-1)
    dst_feat = _mlp(cat_n, nW1, nb1, nW2, nb2, ng, nbeta) + grid_nfeat
    return dst_feat

if __name__ == "__main__":
    import jax
    _d = setup_inputs()
    print(jax.jit(kernel)(*tuple(_d.values())))

</pallas_src>

<mosaic_0001>
#map = affine_map<(d0, d1) -> (0, 0)>
#map1 = affine_map<(d0, d1) -> (0)>
module attributes {stable_mosaic.version = 14 : i64} {
  func.func @k(%arg0: i32, %arg1: i32, %arg2: memref<10000x128xf32, #tpu.memory_space<hbm>>, %arg3: memref<50000x128xf32, #tpu.memory_space<hbm>>, %arg4: memref<320000xi32, #tpu.memory_space<hbm>>, %arg5: memref<320000xi32, #tpu.memory_space<hbm>>, %arg6: memref<320000x128xf32, #tpu.memory_space<hbm>>, %arg7: memref<80xi32, #tpu.memory_space<vmem>>, %arg8: memref<80xi32, #tpu.memory_space<vmem>>, %arg9: memref<80x128xf32, #tpu.memory_space<vmem>>, %arg10: memref<80x128xf32, #tpu.memory_space<vmem>>, %arg11: memref<80xi32, #tpu.memory_space<vmem>>, %arg12: memref<80xi32, #tpu.memory_space<vmem>>, %arg13: memref<80x128xf32, #tpu.memory_space<vmem>>, %arg14: memref<80x128xf32, #tpu.memory_space<vmem>>, %arg15: memref<!tpu.dma_semaphore, #tpu.memory_space<semaphore_mem>>, %arg16: memref<!tpu.dma_semaphore, #tpu.memory_space<semaphore_mem>>, %arg17: memref<!tpu.dma_semaphore, #tpu.memory_space<semaphore_mem>>, %arg18: memref<!tpu.dma_semaphore, #tpu.memory_space<semaphore_mem>>) attributes {dimension_semantics = [#tpu.dimension_semantics<core_parallel>, #tpu.dimension_semantics<subcore_parallel>], iteration_bounds = array<i64: 2, 16>, scalar_prefetch = 0 : i64, scratch_operands = 12 : i64, tpu.core_type = #tpu.core_type<sc_vector_subcore>, window_params = [{transform_indices = #map}, {transform_indices = #map}, {transform_indices = #map1}, {transform_indices = #map1}, {transform_indices = #map}]} {
    %mul3A = arith.constant 2 : i32
    %mul3A_0 = arith.muli %arg1, %mul3A : i32
    %add3A = arith.addi %mul3A_0, %arg0 : i32
    %mul3A_1 = arith.constant 10000 : i32
    %mul3A_2 = arith.muli %add3A, %mul3A_1 : i32
    "tpu.region"() ({
      %run_scoped3A = tpu.sem_alloc : memref<!tpu.dma_semaphore, #tpu.memory_space<semaphore_mem>>
      %dma_start3A_26 = tpu.memref_slice %arg4[%mul3A_2] : memref<320000xi32, #tpu.memory_space<hbm>> -> memref<80xi32, #tpu.memory_space<hbm>>
      %dma_start3A_27 = tpu.memref_slice %arg4[%mul3A_2] : memref<320000xi32, #tpu.memory_space<hbm>> -> memref<80xi32, #tpu.memory_space<hbm>>
      tpu.enqueue_dma source(%dma_start3A_27 : memref<80xi32, #tpu.memory_space<hbm>>) target(%arg7 : memref<80xi32, #tpu.memory_space<vmem>>) target_semaphore(%run_scoped3A : memref<!tpu.dma_semaphore, #tpu.memory_space<semaphore_mem>>)
      %dma_wait3A_28 = tpu.memref_slice %arg4[%mul3A_2] : memref<320000xi32, #tpu.memory_space<hbm>> -> memref<80xi32, #tpu.memory_space<hbm>>
      %dma_wait3A_29 = tpu.memref_slice %arg4[%mul3A_2] : memref<320000xi32, #tpu.memory_space<hbm>> -> memref<80xi32, #tpu.memory_space<hbm>>
      tpu.wait_dma2 semaphore(%run_scoped3A : memref<!tpu.dma_semaphore, #tpu.memory_space<semaphore_mem>>) src(%dma_wait3A_29 : memref<80xi32, #tpu.memory_space<hbm>>) dst(%arg7 : memref<80xi32, #tpu.memory_space<vmem>>)
      tpu.yield
    }) : () -> ()
    "tpu.region"() ({
      %run_scoped3A = tpu.sem_alloc : memref<!tpu.dma_semaphore, #tpu.memory_space<semaphore_mem>>
      %dma_start3A_26 = tpu.memref_slice %arg5[%mul3A_2] : memref<320000xi32, #tpu.memory_space<hbm>> -> memref<80xi32, #tpu.memory_space<hbm>>
      %dma_start3A_27 = tpu.memref_slice %arg5[%mul3A_2] : memref<320000xi32, #tpu.memory_space<hbm>> -> memref<80xi32, #tpu.memory_space<hbm>>
      tpu.enqueue_dma source(%dma_start3A_27 : memref<80xi32, #tpu.memory_space<hbm>>) target(%arg8 : memref<80xi32, #tpu.memory_space<vmem>>) target_semaphore(%run_scoped3A : memref<!tpu.dma_semaphore, #tpu.memory_space<semaphore_mem>>)
      %dma_wait3A_28 = tpu.memref_slice %arg5[%mul3A_2] : memref<320000xi32, #tpu.memory_space<hbm>> -> memref<80xi32, #tpu.memory_space<hbm>>
      %dma_wait3A_29 = tpu.memref_slice %arg5[%mul3A_2] : memref<320000xi32, #tpu.memory_space<hbm>> -> memref<80xi32, #tpu.memory_space<hbm>>
      tpu.wait_dma2 semaphore(%run_scoped3A : memref<!tpu.dma_semaphore, #tpu.memory_space<semaphore_mem>>) src(%dma_wait3A_29 : memref<80xi32, #tpu.memory_space<hbm>>) dst(%arg8 : memref<80xi32, #tpu.memory_space<vmem>>)
      tpu.yield
    }) : () -> ()
    %dma_start3A = arith.constant 0 : i32
    %dma_start3A_3 = arith.constant 0 : i32
    %dma_start3A_4 = tpu.memref_slice %arg2[%dma_start3A, %dma_start3A_3] : memref<10000x128xf32, #tpu.memory_space<hbm>> -> memref<10000x128xf32, #tpu.memory_space<hbm>>
    tpu.enqueue_indirect_dma source(%dma_start3A_4 : memref<10000x128xf32, #tpu.memory_space<hbm>>) target(%arg9 : memref<80x128xf32, #tpu.memory_space<vmem>>) offsets(%arg7 : memref<80xi32, #tpu.memory_space<vmem>>) semaphore(%arg15 : memref<!tpu.dma_semaphore, #tpu.memory_space<semaphore_mem>>)
    %dma_start3A_5 = arith.constant 0 : i32
    %dma_start3A_6 = arith.constant 0 : i32
    %dma_start3A_7 = tpu.memref_slice %arg3[%dma_start3A_5, %dma_start3A_6] : memref<50000x128xf32, #tpu.memory_space<hbm>> -> memref<50000x128xf32, #tpu.memory_space<hbm>>
    tpu.enqueue_indirect_dma source(%dma_start3A_7 : memref<50000x128xf32, #tpu.memory_space<hbm>>) target(%arg10 : memref<80x128xf32, #tpu.memory_space<vmem>>) offsets(%arg8 : memref<80xi32, #tpu.memory_space<vmem>>) semaphore(%arg16 : memref<!tpu.dma_semaphore, #tpu.memory_space<semaphore_mem>>)
    %scan3A = arith.constant 0 : i32
    %scan3A_8 = arith.constant 0 : i32
    %scan3A_9 = arith.constant 62 : i32
    %scan3A_10 = arith.addi %scan3A_8, %scan3A_9 : i32
    %scan3A_11 = arith.constant 1 : i32
    scf.for %scan3A_26 = %scan3A_8 to %scan3A_10 step %scan3A_11  : i32 {
      %mul3A_27 = arith.constant 2 : i32
      %mul3A_28 = arith.muli %mul3A_27, %scan3A_26 : i32
      %mul3A_29 = arith.constant 80 : i32
      %mul3A_30 = arith.muli %mul3A_28, %mul3A_29 : i32
      %add3A_31 = arith.addi %mul3A_2, %mul3A_30 : i32
      %add3A_32 = arith.constant 80 : i32
      %add3A_33 = arith.addi %add3A_31, %add3A_32 : i32
      "tpu.region"() ({
        %run_scoped3A = tpu.sem_alloc : memref<!tpu.dma_semaphore, #tpu.memory_space<semaphore_mem>>
        %dma_start3A_74 = tpu.memref_slice %arg4[%add3A_33] : memref<320000xi32, #tpu.memory_space<hbm>> -> memref<80xi32, #tpu.memory_space<hbm>>
        %dma_start3A_75 = tpu.memref_slice %arg4[%add3A_33] : memref<320000xi32, #tpu.memory_space<hbm>> -> memref<80xi32, #tpu.memory_space<hbm>>
        tpu.enqueue_dma source(%dma_start3A_75 : memref<80xi32, #tpu.memory_space<hbm>>) target(%arg11 : memref<80xi32, #tpu.memory_space<vmem>>) target_semaphore(%run_scoped3A : memref<!tpu.dma_semaphore, #tpu.memory_space<semaphore_mem>>)
        %dma_wait3A_76 = tpu.memref_slice %arg4[%add3A_33] : memref<320000xi32, #tpu.memory_space<hbm>> -> memref<80xi32, #tpu.memory_space<hbm>>
        %dma_wait3A_77 = tpu.memref_slice %arg4[%add3A_33] : memref<320000xi32, #tpu.memory_space<hbm>> -> memref<80xi32, #tpu.memory_space<hbm>>
        tpu.wait_dma2 semaphore(%run_scoped3A : memref<!tpu.dma_semaphore, #tpu.memory_space<semaphore_mem>>) src(%dma_wait3A_77 : memref<80xi32, #tpu.memory_space<hbm>>) dst(%arg11 : memref<80xi32, #tpu.memory_space<vmem>>)
        tpu.yield
      }) : () -> ()
      "tpu.region"() ({
        %run_scoped3A = tpu.sem_alloc : memref<!tpu.dma_semaphore, #tpu.memory_space<semaphore_mem>>
        %dma_start3A_74 = tpu.memref_slice %arg5[%add3A_33] : memref<320000xi32, #tpu.memory_space<hbm>> -> memref<80xi32, #tpu.memory_space<hbm>>
        %dma_start3A_75 = tpu.memref_slice %arg5[%add3A_33] : memref<320000xi32, #tpu.memory_space<hbm>> -> memref<80xi32, #tpu.memory_space<hbm>>
        tpu.enqueue_dma source(%dma_start3A_75 : memref<80xi32, #tpu.memory_space<hbm>>) target(%arg12 : memref<80xi32, #tpu.memory_space<vmem>>) target_semaphore(%run_scoped3A : memref<!tpu.dma_semaphore, #tpu.memory_space<semaphore_mem>>)
        %dma_wait3A_76 = tpu.memref_slice %arg5[%add3A_33] : memref<320000xi32, #tpu.memory_space<hbm>> -> memref<80xi32, #tpu.memory_space<hbm>>
        %dma_wait3A_77 = tpu.memref_slice %arg5[%add3A_33] : memref<320000xi32, #tpu.memory_space<hbm>> -> memref<80xi32, #tpu.memory_space<hbm>>
        tpu.wait_dma2 semaphore(%run_scoped3A : memref<!tpu.dma_semaphore, #tpu.memory_space<semaphore_mem>>) src(%dma_wait3A_77 : memref<80xi32, #tpu.memory_space<hbm>>) dst(%arg12 : memref<80xi32, #tpu.memory_space<vmem>>)
        tpu.yield
      }) : () -> ()
      %dma_start3A_34 = arith.constant 0 : i32
      %dma_start3A_35 = arith.constant 0 : i32
      %dma_start3A_36 = tpu.memref_slice %arg2[%dma_start3A_34, %dma_start3A_35] : memref<10000x128xf32, #tpu.memory_space<hbm>> -> memref<10000x128xf32, #tpu.memory_space<hbm>>
      tpu.enqueue_indirect_dma source(%dma_start3A_36 : memref<10000x128xf32, #tpu.memory_space<hbm>>) target(%arg13 : memref<80x128xf32, #tpu.memory_space<vmem>>) offsets(%arg11 : memref<80xi32, #tpu.memory_space<vmem>>) semaphore(%arg17 : memref<!tpu.dma_semaphore, #tpu.memory_space<semaphore_mem>>)
      %dma_start3A_37 = arith.constant 0 : i32
      %dma_start3A_38 = arith.constant 0 : i32
      %dma_start3A_39 = tpu.memref_slice %arg3[%dma_start3A_37, %dma_start3A_38] : memref<50000x128xf32, #tpu.memory_space<hbm>> -> memref<50000x128xf32, #tpu.memory_space<hbm>>
      tpu.enqueue_indirect_dma source(%dma_start3A_39 : memref<50000x128xf32, #tpu.memory_space<hbm>>) target(%arg14 : memref<80x128xf32, #tpu.memory_space<vmem>>) offsets(%arg12 : memref<80xi32, #tpu.memory_space<vmem>>) semaphore(%arg18 : memref<!tpu.dma_semaphore, #tpu.memory_space<semaphore_mem>>)
      %dma_wait3A_40 = arith.constant 0 : i32
      %dma_wait3A_41 = arith.constant 0 : i32
      %dma_wait3A_42 = tpu.memref_slice %arg2[%dma_wait3A_40, %dma_wait3A_41] : memref<10000x128xf32, #tpu.memory_space<hbm>> -> memref<10000x128xf32, #tpu.memory_space<hbm>>
      tpu.wait_indirect_dma semaphore(%arg15 : memref<!tpu.dma_semaphore, #tpu.memory_space<semaphore_mem>>) src(%dma_wait3A_42 : memref<10000x128xf32, #tpu.memory_space<hbm>>) dst(%arg9 : memref<80x128xf32, #tpu.memory_space<vmem>>)
      %dma_wait3A_43 = arith.constant 0 : i32
      %dma_wait3A_44 = arith.constant 0 : i32
      %dma_wait3A_45 = tpu.memref_slice %arg3[%dma_wait3A_43, %dma_wait3A_44] : memref<50000x128xf32, #tpu.memory_space<hbm>> -> memref<50000x128xf32, #tpu.memory_space<hbm>>
      tpu.wait_indirect_dma semaphore(%arg16 : memref<!tpu.dma_semaphore, #tpu.memory_space<semaphore_mem>>) src(%dma_wait3A_45 : memref<50000x128xf32, #tpu.memory_space<hbm>>) dst(%arg10 : memref<80x128xf32, #tpu.memory_space<vmem>>)
      %scan3A_46 = arith.constant 0 : i32
      %scan3A_47 = arith.constant 0 : i32
      %scan3A_48 = arith.constant 80 : i32
      %scan3A_49 = arith.addi %scan3A_47, %scan3A_48 : i32
      %scan3A_50 = arith.constant 1 : i32
      scf.for %scan3A_74 = %scan3A_47 to %scan3A_49 step %scan3A_50  : i32 {
        %get3A = arith.index_cast %scan3A_74 : i32 to index
        %get3A_75 = arith.constant 0 : index
        %get3A_76 = tpu.vector_load %arg9[%get3A, %get3A_75] {strides = array<i32>} : memref<80x128xf32, #tpu.memory_space<vmem>>, vector<1x16xf32>,
        %get3A_77 = vector.shape_cast %get3A_76 : vector<1x16xf32> to vector<16xf32>
        %get3A_78 = arith.index_cast %scan3A_74 : i32 to index
        %get3A_79 = arith.constant 0 : index
        %get3A_80 = tpu.vector_load %arg10[%get3A_78, %get3A_79] {strides = array<i32>} : memref<80x128xf32, #tpu.memory_space<vmem>>, vector<1x16xf32>,
        %get3A_81 = vector.shape_cast %get3A_80 : vector<1x16xf32> to vector<16xf32>
        %add3A_82 = arith.addf %get3A_77, %get3A_81 : vector<16xf32>
        %swap3A = arith.index_cast %scan3A_74 : i32 to index
        %swap3A_83 = arith.constant 0 : index
        %swap3A_84 = tpu.vector_load %arg9[%swap3A, %swap3A_83] {strides = array<i32>} : memref<80x128xf32, #tpu.memory_space<vmem>>, vector<1x16xf32>,
        %swap3A_85 = vector.shape_cast %swap3A_84 : vector<1x16xf32> to vector<16xf32>
        %swap3A_86 = vector.shape_cast %add3A_82 : vector<16xf32> to vector<1x16xf32>
        tpu.vector_store %arg9[%swap3A, %swap3A_83], %swap3A_86 {strides = array<i32>} : memref<80x128xf32, #tpu.memory_space<vmem>>, vector<1x16xf32>,
        %get3A_87 = arith.index_cast %scan3A_74 : i32 to index
        %get3A_88 = arith.constant 16 : index
        %get3A_89 = tpu.vector_load %arg9[%get3A_87, %get3A_88] {strides = array<i32>} : memref<80x128xf32, #tpu.memory_space<vmem>>, vector<1x16xf32>,
        %get3A_90 = vector.shape_cast %get3A_89 : vector<1x16xf32> to vector<16xf32>
        %get3A_91 = arith.index_cast %scan3A_74 : i32 to index
        %get3A_92 = arith.constant 16 : index
        %get3A_93 = tpu.vector_load %arg10[%get3A_91, %get3A_92] {strides = array<i32>} : memref<80x128xf32, #tpu.memory_space<vmem>>, vector<1x16xf32>,
        %get3A_94 = vector.shape_cast %get3A_93 : vector<1x16xf32> to vector<16xf32>
        %add3A_95 = arith.addf %get3A_90, %get3A_94 : vector<16xf32>
        %swap3A_96 = arith.index_cast %scan3A_74 : i32 to index
        %swap3A_97 = arith.constant 16 : index
        %swap3A_98 = tpu.vector_load %arg9[%swap3A_96, %swap3A_97] {strides = array<i32>} : memref<80x128xf32, #tpu.memory_space<vmem>>, vector<1x16xf32>,
        %swap3A_99 = vector.shape_cast %swap3A_98 : vector<1x16xf32> to vector<16xf32>
        %swap3A_100 = vector.shape_cast %add3A_95 : vector<16xf32> to vector<1x16xf32>
        tpu.vector_store %arg9[%swap3A_96, %swap3A_97], %swap3A_100 {strides = array<i32>} : memref<80x128xf32, #tpu.memory_space<vmem>>, vector<1x16xf32>,
        %get3A_101 = arith.index_cast %scan3A_74 : i32 to index
        %get3A_102 = arith.constant 32 : index
        %get3A_103 = tpu.vector_load %arg9[%get3A_101, %get3A_102] {strides = array<i32>} : memref<80x128xf32, #tpu.memory_space<vmem>>, vector<1x16xf32>,
        %get3A_104 = vector.shape_cast %get3A_103 : vector<1x16xf32> to vector<16xf32>
        %get3A_105 = arith.index_cast %scan3A_74 : i32 to index
        %get3A_106 = arith.constant 32 : index
        %get3A_107 = tpu.vector_load %arg10[%get3A_105, %get3A_106] {strides = array<i32>} : memref<80x128xf32, #tpu.memory_space<vmem>>, vector<1x16xf32>,
        %get3A_108 = vector.shape_cast %get3A_107 : vector<1x16xf32> to vector<16xf32>
        %add3A_109 = arith.addf %get3A_104, %get3A_108 : vector<16xf32>
        %swap3A_110 = arith.index_cast %scan3A_74 : i32 to index
        %swap3A_111 = arith.constant 32 : index
        %swap3A_112 = tpu.vector_load %arg9[%swap3A_110, %swap3A_111] {strides = array<i32>} : memref<80x128xf32, #tpu.memory_space<vmem>>, vector<1x16xf32>,
        %swap3A_113 = vector.shape_cast %swap3A_112 : vector<1x16xf32> to vector<16xf32>
        %swap3A_114 = vector.shape_cast %add3A_109 : vector<16xf32> to vector<1x16xf32>
        tpu.vector_store %arg9[%swap3A_110, %swap3A_111], %swap3A_114 {strides = array<i32>} : memref<80x128xf32, #tpu.memory_space<vmem>>, vector<1x16xf32>,
        %get3A_115 = arith.index_cast %scan3A_74 : i32 to index
        %get3A_116 = arith.constant 48 : index
        %get3A_117 = tpu.vector_load %arg9[%get3A_115, %get3A_116] {strides = array<i32>} : memref<80x128xf32, #tpu.memory_space<vmem>>, vector<1x16xf32>,
        %get3A_118 = vector.shape_cast %get3A_117 : vector<1x16xf32> to vector<16xf32>
        %get3A_119 = arith.index_cast %scan3A_74 : i32 to index
        %get3A_120 = arith.constant 48 : index
        %get3A_121 = tpu.vector_load %arg10[%get3A_119, %get3A_120] {strides = array<i32>} : memref<80x128xf32, #tpu.memory_space<vmem>>, vector<1x16xf32>,
        %get3A_122 = vector.shape_cast %get3A_121 : vector<1x16xf32> to vector<16xf32>
        %add3A_123 = arith.addf %get3A_118, %get3A_122 : vector<16xf32>
        %swap3A_124 = arith.index_cast %scan3A_74 : i32 to index
        %swap3A_125 = arith.constant 48 : index
        %swap3A_126 = tpu.vector_load %arg9[%swap3A_124, %swap3A_125] {strides = array<i32>} : memref<80x128xf32, #tpu.memory_space<vmem>>, vector<1x16xf32>,
        %swap3A_127 = vector.shape_cast %swap3A_126 : vector<1x16xf32> to vector<16xf32>
        %swap3A_128 = vector.shape_cast %add3A_123 : vector<16xf32> to vector<1x16xf32>
        tpu.vector_store %arg9[%swap3A_124, %swap3A_125], %swap3A_128 {strides = array<i32>} : memref<80x128xf32, #tpu.memory_space<vmem>>, vector<1x16xf32>,
        %get3A_129 = arith.index_cast %scan3A_74 : i32 to index
        %get3A_130 = arith.constant 64 : index
        %get3A_131 = tpu.vector_load %arg9[%get3A_129, %get3A_130] {strides = array<i32>} : memref<80x128xf32, #tpu.memory_space<vmem>>, vector<1x16xf32>,
        %get3A_132 = vector.shape_cast %get3A_131 : vector<1x16xf32> to vector<16xf32>
        %get3A_133 = arith.index_cast %scan3A_74 : i32 to index
        %get3A_134 = arith.constant 64 : index
        %get3A_135 = tpu.vector_load %arg10[%get3A_133, %get3A_134] {strides = array<i32>} : memref<80x128xf32, #tpu.memory_space<vmem>>, vector<1x16xf32>,
        %get3A_136 = vector.shape_cast %get3A_135 : vector<1x16xf32> to vector<16xf32>
        %add3A_137 = arith.addf %get3A_132, %get3A_136 : vector<16xf32>
        %swap3A_138 = arith.index_cast %scan3A_74 : i32 to index
        %swap3A_139 = arith.constant 64 : index
        %swap3A_140 = tpu.vector_load %arg9[%swap3A_138, %swap3A_139] {strides = array<i32>} : memref<80x128xf32, #tpu.memory_space<vmem>>, vector<1x16xf32>,
        %swap3A_141 = vector.shape_cast %swap3A_140 : vector<1x16xf32> to vector<16xf32>
        %swap3A_142 = vector.shape_cast %add3A_137 : vector<16xf32> to vector<1x16xf32>
        tpu.vector_store %arg9[%swap3A_138, %swap3A_139], %swap3A_142 {strides = array<i32>} : memref<80x128xf32, #tpu.memory_space<vmem>>, vector<1x16xf32>,
        %get3A_143 = arith.index_cast %scan3A_74 : i32 to index
        %get3A_144 = arith.constant 80 : index
        %get3A_145 = tpu.vector_load %arg9[%get3A_143, %get3A_144] {strides = array<i32>} : memref<80x128xf32, #tpu.memory_space<vmem>>, vector<1x16xf32>,
        %get3A_146 = vector.shape_cast %get3A_145 : vector<1x16xf32> to vector<16xf32>
        %get3A_147 = arith.index_cast %scan3A_74 : i32 to index
        %get3A_148 = arith.constant 80 : index
        %get3A_149 = tpu.vector_load %arg10[%get3A_147, %get3A_148] {strides = array<i32>} : memref<80x128xf32, #tpu.memory_space<vmem>>, vector<1x16xf32>,
        %get3A_150 = vector.shape_cast %get3A_149 : vector<1x16xf32> to vector<16xf32>
        %add3A_151 = arith.addf %get3A_146, %get3A_150 : vector<16xf32>
        %swap3A_152 = arith.index_cast %scan3A_74 : i32 to index
        %swap3A_153 = arith.constant 80 : index
        %swap3A_154 = tpu.vector_load %arg9[%swap3A_152, %swap3A_153] {strides = array<i32>} : memref<80x128xf32, #tpu.memory_space<vmem>>, vector<1x16xf32>,
        %swap3A_155 = vector.shape_cast %swap3A_154 : vector<1x16xf32> to vector<16xf32>
        %swap3A_156 = vector.shape_cast %add3A_151 : vector<16xf32> to vector<1x16xf32>
        tpu.vector_store %arg9[%swap3A_152, %swap3A_153], %swap3A_156 {strides = array<i32>} : memref<80x128xf32, #tpu.memory_space<vmem>>, vector<1x16xf32>,
        %get3A_157 = arith.index_cast %scan3A_74 : i32 to index
        %get3A_158 = arith.constant 96 : index
        %get3A_159 = tpu.vector_load %arg9[%get3A_157, %get3A_158] {strides = array<i32>} : memref<80x128xf32, #tpu.memory_space<vmem>>, vector<1x16xf32>,
        %get3A_160 = vector.shape_cast %get3A_159 : vector<1x16xf32> to vector<16xf32>
        %get3A_161 = arith.index_cast %scan3A_74 : i32 to index
        %get3A_162 = arith.constant 96 : index
        %get3A_163 = tpu.vector_load %arg10[%get3A_161, %get3A_162] {strides = array<i32>} : memref<80x128xf32, #tpu.memory_space<vmem>>, vector<1x16xf32>,
        %get3A_164 = vector.shape_cast %get3A_163 : vector<1x16xf32> to vector<16xf32>
        %add3A_165 = arith.addf %get3A_160, %get3A_164 : vector<16xf32>
        %swap3A_166 = arith.index_cast %scan3A_74 : i32 to index
        %swap3A_167 = arith.constant 96 : index
        %swap3A_168 = tpu.vector_load %arg9[%swap3A_166, %swap3A_167] {strides = array<i32>} : memref<80x128xf32, #tpu.memory_space<vmem>>, vector<1x16xf32>,
        %swap3A_169 = vector.shape_cast %swap3A_168 : vector<1x16xf32> to vector<16xf32>
        %swap3A_170 = vector.shape_cast %add3A_165 : vector<16xf32> to vector<1x16xf32>
        tpu.vector_store %arg9[%swap3A_166, %swap3A_167], %swap3A_170 {strides = array<i32>} : memref<80x128xf32, #tpu.memory_space<vmem>>, vector<1x16xf32>,
        %get3A_171 = arith.index_cast %scan3A_74 : i32 to index
        %get3A_172 = arith.constant 112 : index
        %get3A_173 = tpu.vector_load %arg9[%get3A_171, %get3A_172] {strides = array<i32>} : memref<80x128xf32, #tpu.memory_space<vmem>>, vector<1x16xf32>,
        %get3A_174 = vector.shape_cast %get3A_173 : vector<1x16xf32> to vector<16xf32>
        %get3A_175 = arith.index_cast %scan3A_74 : i32 to index
        %get3A_176 = arith.constant 112 : index
        %get3A_177 = tpu.vector_load %arg10[%get3A_175, %get3A_176] {strides = array<i32>} : memref<80x128xf32, #tpu.memory_space<vmem>>, vector<1x16xf32>,
        %get3A_178 = vector.shape_cast %get3A_177 : vector<1x16xf32> to vector<16xf32>
        %add3A_179 = arith.addf %get3A_174, %get3A_178 : vector<16xf32>
        %swap3A_180 = arith.index_cast %scan3A_74 : i32 to index
        %swap3A_181 = arith.constant 112 : index
        %swap3A_182 = tpu.vector_load %arg9[%swap3A_180, %swap3A_181] {strides = array<i32>} : memref<80x128xf32, #tpu.memory_space<vmem>>, vector<1x16xf32>,
        %swap3A_183 = vector.shape_cast %swap3A_182 : vector<1x16xf32> to vector<16xf32>
        %swap3A_184 = vector.shape_cast %add3A_179 : vector<16xf32> to vector<1x16xf32>
        tpu.vector_store %arg9[%swap3A_180, %swap3A_181], %swap3A_184 {strides = array<i32>} : memref<80x128xf32, #tpu.memory_space<vmem>>, vector<1x16xf32>,
      }
      %scan3A_51 = arith.constant 80 : i32
      "tpu.region"() ({
        %run_scoped3A = tpu.sem_alloc : memref<!tpu.dma_semaphore, #tpu.memory_space<semaphore_mem>>
        %dma_start3A_74 = arith.constant 0 : i32
        %dma_start3A_75 = tpu.memref_slice %arg6[%add3A_31, %dma_start3A_74] : memref<320000x128xf32, #tpu.memory_space<hbm>> -> memref<80x128xf32, #tpu.memory_space<hbm>>
        %dma_start3A_76 = arith.constant 0 : i32
        %dma_start3A_77 = tpu.memref_slice %arg6[%add3A_31, %dma_start3A_76] : memref<320000x128xf32, #tpu.memory_space<hbm>> -> memref<80x128xf32, #tpu.memory_space<hbm>>
        tpu.enqueue_dma source(%arg9 : memref<80x128xf32, #tpu.memory_space<vmem>>) target(%dma_start3A_77 : memref<80x128xf32, #tpu.memory_space<hbm>>) target_semaphore(%run_scoped3A : memref<!tpu.dma_semaphore, #tpu.memory_space<semaphore_mem>>)
        %dma_wait3A_78 = arith.constant 0 : i32
        %dma_wait3A_79 = tpu.memref_slice %arg6[%add3A_31, %dma_wait3A_78] : memref<320000x128xf32, #tpu.memory_space<hbm>> -> memref<80x128xf32, #tpu.memory_space<hbm>>
        %dma_wait3A_80 = arith.constant 0 : i32
        %dma_wait3A_81 = tpu.memref_slice %arg6[%add3A_31, %dma_wait3A_80] : memref<320000x128xf32, #tpu.memory_space<hbm>> -> memref<80x128xf32, #tpu.memory_space<hbm>>
        tpu.wait_dma2 semaphore(%run_scoped3A : memref<!tpu.dma_semaphore, #tpu.memory_space<semaphore_mem>>) src(%arg9 : memref<80x128xf32, #tpu.memory_space<vmem>>) dst(%dma_wait3A_81 : memref<80x128xf32, #tpu.memory_space<hbm>>)
        tpu.yield
      }) : () -> ()
      %add3A_52 = arith.constant 160 : i32
      %add3A_53 = arith.addi %add3A_31, %add3A_52 : i32
      "tpu.region"() ({
        %run_scoped3A = tpu.sem_alloc : memref<!tpu.dma_semaphore, #tpu.memory_space<semaphore_mem>>
        %dma_start3A_74 = tpu.memref_slice %arg4[%add3A_53] : memref<320000xi32, #tpu.memory_space<hbm>> -> memref<80xi32, #tpu.memory_space<hbm>>
        %dma_start3A_75 = tpu.memref_slice %arg4[%add3A_53] : memref<320000xi32, #tpu.memory_space<hbm>> -> memref<80xi32, #tpu.memory_space<hbm>>
        tpu.enqueue_dma source(%dma_start3A_75 : memref<80xi32, #tpu.memory_space<hbm>>) target(%arg7 : memref<80xi32, #tpu.memory_space<vmem>>) target_semaphore(%run_scoped3A : memref<!tpu.dma_semaphore, #tpu.memory_space<semaphore_mem>>)
        %dma_wait3A_76 = tpu.memref_slice %arg4[%add3A_53] : memref<320000xi32, #tpu.memory_space<hbm>> -> memref<80xi32, #tpu.memory_space<hbm>>
        %dma_wait3A_77 = tpu.memref_slice %arg4[%add3A_53] : memref<320000xi32, #tpu.memory_space<hbm>> -> memref<80xi32, #tpu.memory_space<hbm>>
        tpu.wait_dma2 semaphore(%run_scoped3A : memref<!tpu.dma_semaphore, #tpu.memory_space<semaphore_mem>>) src(%dma_wait3A_77 : memref<80xi32, #tpu.memory_space<hbm>>) dst(%arg7 : memref<80xi32, #tpu.memory_space<vmem>>)
        tpu.yield
      }) : () -> ()
      "tpu.region"() ({
        %run_scoped3A = tpu.sem_alloc : memref<!tpu.dma_semaphore, #tpu.memory_space<semaphore_mem>>
        %dma_start3A_74 = tpu.memref_slice %arg5[%add3A_53] : memref<320000xi32, #tpu.memory_space<hbm>> -> memref<80xi32, #tpu.memory_space<hbm>>
        %dma_start3A_75 = tpu.memref_slice %arg5[%add3A_53] : memref<320000xi32, #tpu.memory_space<hbm>> -> memref<80xi32, #tpu.memory_space<hbm>>
        tpu.enqueue_dma source(%dma_start3A_75 : memref<80xi32, #tpu.memory_space<hbm>>) target(%arg8 : memref<80xi32, #tpu.memory_space<vmem>>) target_semaphore(%run_scoped3A : memref<!tpu.dma_semaphore, #tpu.memory_space<semaphore_mem>>)
        %dma_wait3A_76 = tpu.memref_slice %arg5[%add3A_53] : memref<320000xi32, #tpu.memory_space<hbm>> -> memref<80xi32, #tpu.memory_space<hbm>>
        %dma_wait3A_77 = tpu.memref_slice %arg5[%add3A_53] : memref<320000xi32, #tpu.memory_space<hbm>> -> memref<80xi32, #tpu.memory_space<hbm>>
        tpu.wait_dma2 semaphore(%run_scoped3A : memref<!tpu.dma_semaphore, #tpu.memory_space<semaphore_mem>>) src(%dma_wait3A_77 : memref<80xi32, #tpu.memory_space<hbm>>) dst(%arg8 : memref<80xi32, #tpu.memory_space<vmem>>)
        tpu.yield
      }) : () -> ()
      %dma_start3A_54 = arith.constant 0 : i32
      %dma_start3A_55 = arith.constant 0 : i32
      %dma_start3A_56 = tpu.memref_slice %arg2[%dma_start3A_54, %dma_start3A_55] : memref<10000x128xf32, #tpu.memory_space<hbm>> -> memref<10000x128xf32, #tpu.memory_space<hbm>>
      tpu.enqueue_indirect_dma source(%dma_start3A_56 : memref<10000x128xf32, #tpu.memory_space<hbm>>) target(%arg9 : memref<80x128xf32, #tpu.memory_space<vmem>>) offsets(%arg7 : memref<80xi32, #tpu.memory_space<vmem>>) semaphore(%arg15 : memref<!tpu.dma_semaphore, #tpu.memory_space<semaphore_mem>>)
      %dma_start3A_57 = arith.constant 0 : i32
      %dma_start3A_58 = arith.constant 0 : i32
      %dma_start3A_59 = tpu.memref_slice %arg3[%dma_start3A_57, %dma_start3A_58] : memref<50000x128xf32, #tpu.memory_space<hbm>> -> memref<50000x128xf32, #tpu.memory_space<hbm>>
      tpu.enqueue_indirect_dma source(%dma_start3A_59 : memref<50000x128xf32, #tpu.memory_space<hbm>>) target(%arg10 : memref<80x128xf32, #tpu.memory_space<vmem>>) offsets(%arg8 : memref<80xi32, #tpu.memory_space<vmem>>) semaphore(%arg16 : memref<!tpu.dma_semaphore, #tpu.memory_space<semaphore_mem>>)
      %add3A_60 = arith.constant 80 : i32
      %add3A_61 = arith.addi %add3A_31, %add3A_60 : i32
      %dma_wait3A_62 = arith.constant 0 : i32
      %dma_wait3A_63 = arith.constant 0 : i32
      %dma_wait3A_64 = tpu.memref_slice %arg2[%dma_wait3A_62, %dma_wait3A_63] : memref<10000x128xf32, #tpu.memory_space<hbm>> -> memref<10000x128xf32, #tpu.memory_space<hbm>>
      tpu.wait_indirect_dma semaphore(%arg17 : memref<!tpu.dma_semaphore, #tpu.memory_space<semaphore_mem>>) src(%dma_wait3A_64 : memref<10000x128xf32, #tpu.memory_space<hbm>>) dst(%arg13 : memref<80x128xf32, #tpu.memory_space<vmem>>)
      %dma_wait3A_65 = arith.constant 0 : i32
      %dma_wait3A_66 = arith.constant 0 : i32
      %dma_wait3A_67 = tpu.memref_slice %arg3[%dma_wait3A_65, %dma_wait3A_66] : memref<50000x128xf32, #tpu.memory_space<hbm>> -> memref<50000x128xf32, #tpu.memory_space<hbm>>
      tpu.wait_indirect_dma semaphore(%arg18 : memref<!tpu.dma_semaphore, #tpu.memory_space<semaphore_mem>>) src(%dma_wait3A_67 : memref<50000x128xf32, #tpu.memory_space<hbm>>) dst(%arg14 : memref<80x128xf32, #tpu.memory_space<vmem>>)
      %scan3A_68 = arith.constant 0 : i32
      %scan3A_69 = arith.constant 0 : i32
      %scan3A_70 = arith.constant 80 : i32
      %scan3A_71 = arith.addi %scan3A_69, %scan3A_70 : i32
      %scan3A_72 = arith.constant 1 : i32
      scf.for %scan3A_74 = %scan3A_69 to %scan3A_71 step %scan3A_72  : i32 {
        %get3A = arith.index_cast %scan3A_74 : i32 to index
        %get3A_75 = arith.constant 0 : index
        %get3A_76 = tpu.vector_load %arg13[%get3A, %get3A_75] {strides = array<i32>} : memref<80x128xf32, #tpu.memory_space<vmem>>, vector<1x16xf32>,
        %get3A_77 = vector.shape_cast %get3A_76 : vector<1x16xf32> to vector<16xf32>
        %get3A_78 = arith.index_cast %scan3A_74 : i32 to index
        %get3A_79 = arith.constant 0 : index
        %get3A_80 = tpu.vector_load %arg14[%get3A_78, %get3A_79] {strides = array<i32>} : memref<80x128xf32, #tpu.memory_space<vmem>>, vector<1x16xf32>,
        %get3A_81 = vector.shape_cast %get3A_80 : vector<1x16xf32> to vector<16xf32>
        %add3A_82 = arith.addf %get3A_77, %get3A_81 : vector<16xf32>
        %swap3A = arith.index_cast %scan3A_74 : i32 to index
        %swap3A_83 = arith.constant 0 : index
        %swap3A_84 = tpu.vector_load %arg13[%swap3A, %swap3A_83] {strides = array<i32>} : memref<80x128xf32, #tpu.memory_space<vmem>>, vector<1x16xf32>,
        %swap3A_85 = vector.shape_cast %swap3A_84 : vector<1x16xf32> to vector<16xf32>
        %swap3A_86 = vector.shape_cast %add3A_82 : vector<16xf32> to vector<1x16xf32>
        tpu.vector_store %arg13[%swap3A, %swap3A_83], %swap3A_86 {strides = array<i32>} : memref<80x128xf32, #tpu.memory_space<vmem>>, vector<1x16xf32>,
        %get3A_87 = arith.index_cast %scan3A_74 : i32 to index
        %get3A_88 = arith.constant 16 : index
        %get3A_89 = tpu.vector_load %arg13[%get3A_87, %get3A_88] {strides = array<i32>} : memref<80x128xf32, #tpu.memory_space<vmem>>, vector<1x16xf32>,
        %get3A_90 = vector.shape_cast %get3A_89 : vector<1x16xf32> to vector<16xf32>
        %get3A_91 = arith.index_cast %scan3A_74 : i32 to index
        %get3A_92 = arith.constant 16 : index
        %get3A_93 = tpu.vector_load %arg14[%get3A_91, %get3A_92] {strides = array<i32>} : memref<80x128xf32, #tpu.memory_space<vmem>>, vector<1x16xf32>,
        %get3A_94 = vector.shape_cast %get3A_93 : vector<1x16xf32> to vector<16xf32>
        %add3A_95 = arith.addf %get3A_90, %get3A_94 : vector<16xf32>
        %swap3A_96 = arith.index_cast %scan3A_74 : i32 to index
        %swap3A_97 = arith.constant 16 : index
        %swap3A_98 = tpu.vector_load %arg13[%swap3A_96, %swap3A_97] {strides = array<i32>} : memref<80x128xf32, #tpu.memory_space<vmem>>, vector<1x16xf32>,
        %swap3A_99 = vector.shape_cast %swap3A_98 : vector<1x16xf32> to vector<16xf32>
        %swap3A_100 = vector.shape_cast %add3A_95 : vector<16xf32> to vector<1x16xf32>
        tpu.vector_store %arg13[%swap3A_96, %swap3A_97], %swap3A_100 {strides = array<i32>} : memref<80x128xf32, #tpu.memory_space<vmem>>, vector<1x16xf32>,
        %get3A_101 = arith.index_cast %scan3A_74 : i32 to index
        %get3A_102 = arith.constant 32 : index
        %get3A_103 = tpu.vector_load %arg13[%get3A_101, %get3A_102] {strides = array<i32>} : memref<80x128xf32, #tpu.memory_space<vmem>>, vector<1x16xf32>,
        %get3A_104 = vector.shape_cast %get3A_103 : vector<1x16xf32> to vector<16xf32>
        %get3A_105 = arith.index_cast %scan3A_74 : i32 to index
        %get3A_106 = arith.constant 32 : index
        %get3A_107 = tpu.vector_load %arg14[%get3A_105, %get3A_106] {strides = array<i32>} : memref<80x128xf32, #tpu.memory_space<vmem>>, vector<1x16xf32>,
        %get3A_108 = vector.shape_cast %get3A_107 : vector<1x16xf32> to vector<16xf32>
        %add3A_109 = arith.addf %get3A_104, %get3A_108 : vector<16xf32>
        %swap3A_110 = arith.index_cast %scan3A_74 : i32 to index
        %swap3A_111 = arith.constant 32 : index
        %swap3A_112 = tpu.vector_load %arg13[%swap3A_110, %swap3A_111] {strides = array<i32>} : memref<80x128xf32, #tpu.memory_space<vmem>>, vector<1x16xf32>,
        %swap3A_113 = vector.shape_cast %swap3A_112 : vector<1x16xf32> to vector<16xf32>
        %swap3A_114 = vector.shape_cast %add3A_109 : vector<16xf32> to vector<1x16xf32>
        tpu.vector_store %arg13[%swap3A_110, %swap3A_111], %swap3A_114 {strides = array<i32>} : memref<80x128xf32, #tpu.memory_space<vmem>>, vector<1x16xf32>,
        %get3A_115 = arith.index_cast %scan3A_74 : i32 to index
        %get3A_116 = arith.constant 48 : index
        %get3A_117 = tpu.vector_load %arg13[%get3A_115, %get3A_116] {strides = array<i32>} : memref<80x128xf32, #tpu.memory_space<vmem>>, vector<1x16xf32>,
        %get3A_118 = vector.shape_cast %get3A_117 : vector<1x16xf32> to vector<16xf32>
        %get3A_119 = arith.index_cast %scan3A_74 : i32 to index
        %get3A_120 = arith.constant 48 : index
        %get3A_121 = tpu.vector_load %arg14[%get3A_119, %get3A_120] {strides = array<i32>} : memref<80x128xf32, #tpu.memory_space<vmem>>, vector<1x16xf32>,
        %get3A_122 = vector.shape_cast %get3A_121 : vector<1x16xf32> to vector<16xf32>
        %add3A_123 = arith.addf %get3A_118, %get3A_122 : vector<16xf32>
        %swap3A_124 = arith.index_cast %scan3A_74 : i32 to index
        %swap3A_125 = arith.constant 48 : index
        %swap3A_126 = tpu.vector_load %arg13[%swap3A_124, %swap3A_125] {strides = array<i32>} : memref<80x128xf32, #tpu.memory_space<vmem>>, vector<1x16xf32>,
        %swap3A_127 = vector.shape_cast %swap3A_126 : vector<1x16xf32> to vector<16xf32>
        %swap3A_128 = vector.shape_cast %add3A_123 : vector<16xf32> to vector<1x16xf32>
        tpu.vector_store %arg13[%swap3A_124, %swap3A_125], %swap3A_128 {strides = array<i32>} : memref<80x128xf32, #tpu.memory_space<vmem>>, vector<1x16xf32>,
        %get3A_129 = arith.index_cast %scan3A_74 : i32 to index
        %get3A_130 = arith.constant 64 : index
        %get3A_131 = tpu.vector_load %arg13[%get3A_129, %get3A_130] {strides = array<i32>} : memref<80x128xf32, #tpu.memory_space<vmem>>, vector<1x16xf32>,
        %get3A_132 = vector.shape_cast %get3A_131 : vector<1x16xf32> to vector<16xf32>
        %get3A_133 = arith.index_cast %scan3A_74 : i32 to index
        %get3A_134 = arith.constant 64 : index
        %get3A_135 = tpu.vector_load %arg14[%get3A_133, %get3A_134] {strides = array<i32>} : memref<80x128xf32, #tpu.memory_space<vmem>>, vector<1x16xf32>,
        %get3A_136 = vector.shape_cast %get3A_135 : vector<1x16xf32> to vector<16xf32>
        %add3A_137 = arith.addf %get3A_132, %get3A_136 : vector<16xf32>
        %swap3A_138 = arith.index_cast %scan3A_74 : i32 to index
        %swap3A_139 = arith.constant 64 : index
        %swap3A_140 = tpu.vector_load %arg13[%swap3A_138, %swap3A_139] {strides = array<i32>} : memref<80x128xf32, #tpu.memory_space<vmem>>, vector<1x16xf32>,
        %swap3A_141 = vector.shape_cast %swap3A_140 : vector<1x16xf32> to vector<16xf32>
        %swap3A_142 = vector.shape_cast %add3A_137 : vector<16xf32> to vector<1x16xf32>
        tpu.vector_store %arg13[%swap3A_138, %swap3A_139], %swap3A_142 {strides = array<i32>} : memref<80x128xf32, #tpu.memory_space<vmem>>, vector<1x16xf32>,
        %get3A_143 = arith.index_cast %scan3A_74 : i32 to index
        %get3A_144 = arith.constant 80 : index
        %get3A_145 = tpu.vector_load %arg13[%get3A_143, %get3A_144] {strides = array<i32>} : memref<80x128xf32, #tpu.memory_space<vmem>>, vector<1x16xf32>,
        %get3A_146 = vector.shape_cast %get3A_145 : vector<1x16xf32> to vector<16xf32>
        %get3A_147 = arith.index_cast %scan3A_74 : i32 to index
        %get3A_148 = arith.constant 80 : index
        %get3A_149 = tpu.vector_load %arg14[%get3A_147, %get3A_148] {strides = array<i32>} : memref<80x128xf32, #tpu.memory_space<vmem>>, vector<1x16xf32>,
        %get3A_150 = vector.shape_cast %get3A_149 : vector<1x16xf32> to vector<16xf32>
        %add3A_151 = arith.addf %get3A_146, %get3A_150 : vector<16xf32>
        %swap3A_152 = arith.index_cast %scan3A_74 : i32 to index
        %swap3A_153 = arith.constant 80 : index
        %swap3A_154 = tpu.vector_load %arg13[%swap3A_152, %swap3A_153] {strides = array<i32>} : memref<80x128xf32, #tpu.memory_space<vmem>>, vector<1x16xf32>,
        %swap3A_155 = vector.shape_cast %swap3A_154 : vector<1x16xf32> to vector<16xf32>
        %swap3A_156 = vector.shape_cast %add3A_151 : vector<16xf32> to vector<1x16xf32>
        tpu.vector_store %arg13[%swap3A_152, %swap3A_153], %swap3A_156 {strides = array<i32>} : memref<80x128xf32, #tpu.memory_space<vmem>>, vector<1x16xf32>,
        %get3A_157 = arith.index_cast %scan3A_74 : i32 to index
        %get3A_158 = arith.constant 96 : index
        %get3A_159 = tpu.vector_load %arg13[%get3A_157, %get3A_158] {strides = array<i32>} : memref<80x128xf32, #tpu.memory_space<vmem>>, vector<1x16xf32>,
        %get3A_160 = vector.shape_cast %get3A_159 : vector<1x16xf32> to vector<16xf32>
        %get3A_161 = arith.index_cast %scan3A_74 : i32 to index
        %get3A_162 = arith.constant 96 : index
        %get3A_163 = tpu.vector_load %arg14[%get3A_161, %get3A_162] {strides = array<i32>} : memref<80x128xf32, #tpu.memory_space<vmem>>, vector<1x16xf32>,
        %get3A_164 = vector.shape_cast %get3A_163 : vector<1x16xf32> to vector<16xf32>
        %add3A_165 = arith.addf %get3A_160, %get3A_164 : vector<16xf32>
        %swap3A_166 = arith.index_cast %scan3A_74 : i32 to index
        %swap3A_167 = arith.constant 96 : index
        %swap3A_168 = tpu.vector_load %arg13[%swap3A_166, %swap3A_167] {strides = array<i32>} : memref<80x128xf32, #tpu.memory_space<vmem>>, vector<1x16xf32>,
        %swap3A_169 = vector.shape_cast %swap3A_168 : vector<1x16xf32> to vector<16xf32>
        %swap3A_170 = vector.shape_cast %add3A_165 : vector<16xf32> to vector<1x16xf32>
        tpu.vector_store %arg13[%swap3A_166, %swap3A_167], %swap3A_170 {strides = array<i32>} : memref<80x128xf32, #tpu.memory_space<vmem>>, vector<1x16xf32>,
        %get3A_171 = arith.index_cast %scan3A_74 : i32 to index
        %get3A_172 = arith.constant 112 : index
        %get3A_173 = tpu.vector_load %arg13[%get3A_171, %get3A_172] {strides = array<i32>} : memref<80x128xf32, #tpu.memory_space<vmem>>, vector<1x16xf32>,
        %get3A_174 = vector.shape_cast %get3A_173 : vector<1x16xf32> to vector<16xf32>
        %get3A_175 = arith.index_cast %scan3A_74 : i32 to index
        %get3A_176 = arith.constant 112 : index
        %get3A_177 = tpu.vector_load %arg14[%get3A_175, %get3A_176] {strides = array<i32>} : memref<80x128xf32, #tpu.memory_space<vmem>>, vector<1x16xf32>,
        %get3A_178 = vector.shape_cast %get3A_177 : vector<1x16xf32> to vector<16xf32>
        %add3A_179 = arith.addf %get3A_174, %get3A_178 : vector<16xf32>
        %swap3A_180 = arith.index_cast %scan3A_74 : i32 to index
        %swap3A_181 = arith.constant 112 : index
        %swap3A_182 = tpu.vector_load %arg13[%swap3A_180, %swap3A_181] {strides = array<i32>} : memref<80x128xf32, #tpu.memory_space<vmem>>, vector<1x16xf32>,
        %swap3A_183 = vector.shape_cast %swap3A_182 : vector<1x16xf32> to vector<16xf32>
        %swap3A_184 = vector.shape_cast %add3A_179 : vector<16xf32> to vector<1x16xf32>
        tpu.vector_store %arg13[%swap3A_180, %swap3A_181], %swap3A_184 {strides = array<i32>} : memref<80x128xf32, #tpu.memory_space<vmem>>, vector<1x16xf32>,
      }
      %scan3A_73 = arith.constant 80 : i32
      "tpu.region"() ({
        %run_scoped3A = tpu.sem_alloc : memref<!tpu.dma_semaphore, #tpu.memory_space<semaphore_mem>>
        %dma_start3A_74 = arith.constant 0 : i32
        %dma_start3A_75 = tpu.memref_slice %arg6[%add3A_61, %dma_start3A_74] : memref<320000x128xf32, #tpu.memory_space<hbm>> -> memref<80x128xf32, #tpu.memory_space<hbm>>
        %dma_start3A_76 = arith.constant 0 : i32
        %dma_start3A_77 = tpu.memref_slice %arg6[%add3A_61, %dma_start3A_76] : memref<320000x128xf32, #tpu.memory_space<hbm>> -> memref<80x128xf32, #tpu.memory_space<hbm>>
        tpu.enqueue_dma source(%arg13 : memref<80x128xf32, #tpu.memory_space<vmem>>) target(%dma_start3A_77 : memref<80x128xf32, #tpu.memory_space<hbm>>) target_semaphore(%run_scoped3A : memref<!tpu.dma_semaphore, #tpu.memory_space<semaphore_mem>>)
        %dma_wait3A_78 = arith.constant 0 : i32
        %dma_wait3A_79 = tpu.memref_slice %arg6[%add3A_61, %dma_wait3A_78] : memref<320000x128xf32, #tpu.memory_space<hbm>> -> memref<80x128xf32, #tpu.memory_space<hbm>>
        %dma_wait3A_80 = arith.constant 0 : i32
        %dma_wait3A_81 = tpu.memref_slice %arg6[%add3A_61, %dma_wait3A_80] : memref<320000x128xf32, #tpu.memory_space<hbm>> -> memref<80x128xf32, #tpu.memory_space<hbm>>
        tpu.wait_dma2 semaphore(%run_scoped3A : memref<!tpu.dma_semaphore, #tpu.memory_space<semaphore_mem>>) src(%arg13 : memref<80x128xf32, #tpu.memory_space<vmem>>) dst(%dma_wait3A_81 : memref<80x128xf32, #tpu.memory_space<hbm>>)
        tpu.yield
      }) : () -> ()
    }
    %scan3A_12 = arith.constant 62 : i32
    %add3A_13 = arith.constant 9920 : i32
    %add3A_14 = arith.addi %mul3A_2, %add3A_13 : i32
    %dma_wait3A = arith.constant 0 : i32
    %dma_wait3A_15 = arith.constant 0 : i32
    %dma_wait3A_16 = tpu.memref_slice %arg2[%dma_wait3A, %dma_wait3A_15] : memref<10000x128xf32, #tpu.memory_space<hbm>> -> memref<10000x128xf32, #tpu.memory_space<hbm>>
    tpu.wait_indirect_dma semaphore(%arg15 : memref<!tpu.dma_semaphore, #tpu.memory_space<semaphore_mem>>) src(%dma_wait3A_16 : memref<10000x128xf32, #tpu.memory_space<hbm>>) dst(%arg9 : memref<80x128xf32, #tpu.memory_space<vmem>>)
    %dma_wait3A_17 = arith.constant 0 : i32
    %dma_wait3A_18 = arith.constant 0 : i32
    %dma_wait3A_19 = tpu.memref_slice %arg3[%dma_wait3A_17, %dma_wait3A_18] : memref<50000x128xf32, #tpu.memory_space<hbm>> -> memref<50000x128xf32, #tpu.memory_space<hbm>>
    tpu.wait_indirect_dma semaphore(%arg16 : memref<!tpu.dma_semaphore, #tpu.memory_space<semaphore_mem>>) src(%dma_wait3A_19 : memref<50000x128xf32, #tpu.memory_space<hbm>>) dst(%arg10 : memref<80x128xf32, #tpu.memory_space<vmem>>)
    %scan3A_20 = arith.constant 0 : i32
    %scan3A_21 = arith.constant 0 : i32
    %scan3A_22 = arith.constant 80 : i32
    %scan3A_23 = arith.addi %scan3A_21, %scan3A_22 : i32
    %scan3A_24 = arith.constant 1 : i32
    scf.for %scan3A_26 = %scan3A_21 to %scan3A_23 step %scan3A_24  : i32 {
      %get3A = arith.index_cast %scan3A_26 : i32 to index
      %get3A_27 = arith.constant 0 : index
      %get3A_28 = tpu.vector_load %arg9[%get3A, %get3A_27] {strides = array<i32>} : memref<80x128xf32, #tpu.memory_space<vmem>>, vector<1x16xf32>,
      %get3A_29 = vector.shape_cast %get3A_28 : vector<1x16xf32> to vector<16xf32>
      %get3A_30 = arith.index_cast %scan3A_26 : i32 to index
      %get3A_31 = arith.constant 0 : index
      %get3A_32 = tpu.vector_load %arg10[%get3A_30, %get3A_31] {strides = array<i32>} : memref<80x128xf32, #tpu.memory_space<vmem>>, vector<1x16xf32>,
      %get3A_33 = vector.shape_cast %get3A_32 : vector<1x16xf32> to vector<16xf32>
      %add3A_34 = arith.addf %get3A_29, %get3A_33 : vector<16xf32>
      %swap3A = arith.index_cast %scan3A_26 : i32 to index
      %swap3A_35 = arith.constant 0 : index
      %swap3A_36 = tpu.vector_load %arg9[%swap3A, %swap3A_35] {strides = array<i32>} : memref<80x128xf32, #tpu.memory_space<vmem>>, vector<1x16xf32>,
      %swap3A_37 = vector.shape_cast %swap3A_36 : vector<1x16xf32> to vector<16xf32>
      %swap3A_38 = vector.shape_cast %add3A_34 : vector<16xf32> to vector<1x16xf32>
      tpu.vector_store %arg9[%swap3A, %swap3A_35], %swap3A_38 {strides = array<i32>} : memref<80x128xf32, #tpu.memory_space<vmem>>, vector<1x16xf32>,
      %get3A_39 = arith.index_cast %scan3A_26 : i32 to index
      %get3A_40 = arith.constant 16 : index
      %get3A_41 = tpu.vector_load %arg9[%get3A_39, %get3A_40] {strides = array<i32>} : memref<80x128xf32, #tpu.memory_space<vmem>>, vector<1x16xf32>,
      %get3A_42 = vector.shape_cast %get3A_41 : vector<1x16xf32> to vector<16xf32>
      %get3A_43 = arith.index_cast %scan3A_26 : i32 to index
      %get3A_44 = arith.constant 16 : index
      %get3A_45 = tpu.vector_load %arg10[%get3A_43, %get3A_44] {strides = array<i32>} : memref<80x128xf32, #tpu.memory_space<vmem>>, vector<1x16xf32>,
      %get3A_46 = vector.shape_cast %get3A_45 : vector<1x16xf32> to vector<16xf32>
      %add3A_47 = arith.addf %get3A_42, %get3A_46 : vector<16xf32>
      %swap3A_48 = arith.index_cast %scan3A_26 : i32 to index
      %swap3A_49 = arith.constant 16 : index
      %swap3A_50 = tpu.vector_load %arg9[%swap3A_48, %swap3A_49] {strides = array<i32>} : memref<80x128xf32, #tpu.memory_space<vmem>>, vector<1x16xf32>,
      %swap3A_51 = vector.shape_cast %swap3A_50 : vector<1x16xf32> to vector<16xf32>
      %swap3A_52 = vector.shape_cast %add3A_47 : vector<16xf32> to vector<1x16xf32>
      tpu.vector_store %arg9[%swap3A_48, %swap3A_49], %swap3A_52 {strides = array<i32>} : memref<80x128xf32, #tpu.memory_space<vmem>>, vector<1x16xf32>,
      %get3A_53 = arith.index_cast %scan3A_26 : i32 to index
      %get3A_54 = arith.constant 32 : index
      %get3A_55 = tpu.vector_load %arg9[%get3A_53, %get3A_54] {strides = array<i32>} : memref<80x128xf32, #tpu.memory_space<vmem>>, vector<1x16xf32>,
      %get3A_56 = vector.shape_cast %get3A_55 : vector<1x16xf32> to vector<16xf32>
      %get3A_57 = arith.index_cast %scan3A_26 : i32 to index
      %get3A_58 = arith.constant 32 : index
      %get3A_59 = tpu.vector_load %arg10[%get3A_57, %get3A_58] {strides = array<i32>} : memref<80x128xf32, #tpu.memory_space<vmem>>, vector<1x16xf32>,
      %get3A_60 = vector.shape_cast %get3A_59 : vector<1x16xf32> to vector<16xf32>
      %add3A_61 = arith.addf %get3A_56, %get3A_60 : vector<16xf32>
      %swap3A_62 = arith.index_cast %scan3A_26 : i32 to index
      %swap3A_63 = arith.constant 32 : index
      %swap3A_64 = tpu.vector_load %arg9[%swap3A_62, %swap3A_63] {strides = array<i32>} : memref<80x128xf32, #tpu.memory_space<vmem>>, vector<1x16xf32>,
      %swap3A_65 = vector.shape_cast %swap3A_64 : vector<1x16xf32> to vector<16xf32>
      %swap3A_66 = vector.shape_cast %add3A_61 : vector<16xf32> to vector<1x16xf32>
      tpu.vector_store %arg9[%swap3A_62, %swap3A_63], %swap3A_66 {strides = array<i32>} : memref<80x128xf32, #tpu.memory_space<vmem>>, vector<1x16xf32>,
      %get3A_67 = arith.index_cast %scan3A_26 : i32 to index
      %get3A_68 = arith.constant 48 : index
      %get3A_69 = tpu.vector_load %arg9[%get3A_67, %get3A_68] {strides = array<i32>} : memref<80x128xf32, #tpu.memory_space<vmem>>, vector<1x16xf32>,
      %get3A_70 = vector.shape_cast %get3A_69 : vector<1x16xf32> to vector<16xf32>
      %get3A_71 = arith.index_cast %scan3A_26 : i32 to index
      %get3A_72 = arith.constant 48 : index
      %get3A_73 = tpu.vector_load %arg10[%get3A_71, %get3A_72] {strides = array<i32>} : memref<80x128xf32, #tpu.memory_space<vmem>>, vector<1x16xf32>,
      %get3A_74 = vector.shape_cast %get3A_73 : vector<1x16xf32> to vector<16xf32>
      %add3A_75 = arith.addf %get3A_70, %get3A_74 : vector<16xf32>
      %swap3A_76 = arith.index_cast %scan3A_26 : i32 to index
      %swap3A_77 = arith.constant 48 : index
      %swap3A_78 = tpu.vector_load %arg9[%swap3A_76, %swap3A_77] {strides = array<i32>} : memref<80x128xf32, #tpu.memory_space<vmem>>, vector<1x16xf32>,
      %swap3A_79 = vector.shape_cast %swap3A_78 : vector<1x16xf32> to vector<16xf32>
      %swap3A_80 = vector.shape_cast %add3A_75 : vector<16xf32> to vector<1x16xf32>
      tpu.vector_store %arg9[%swap3A_76, %swap3A_77], %swap3A_80 {strides = array<i32>} : memref<80x128xf32, #tpu.memory_space<vmem>>, vector<1x16xf32>,
      %get3A_81 = arith.index_cast %scan3A_26 : i32 to index
      %get3A_82 = arith.constant 64 : index
      %get3A_83 = tpu.vector_load %arg9[%get3A_81, %get3A_82] {strides = array<i32>} : memref<80x128xf32, #tpu.memory_space<vmem>>, vector<1x16xf32>,
      %get3A_84 = vector.shape_cast %get3A_83 : vector<1x16xf32> to vector<16xf32>
      %get3A_85 = arith.index_cast %scan3A_26 : i32 to index
      %get3A_86 = arith.constant 64 : index
      %get3A_87 = tpu.vector_load %arg10[%get3A_85, %get3A_86] {strides = array<i32>} : memref<80x128xf32, #tpu.memory_space<vmem>>, vector<1x16xf32>,
      %get3A_88 = vector.shape_cast %get3A_87 : vector<1x16xf32> to vector<16xf32>
      %add3A_89 = arith.addf %get3A_84, %get3A_88 : vector<16xf32>
      %swap3A_90 = arith.index_cast %scan3A_26 : i32 to index
      %swap3A_91 = arith.constant 64 : index
      %swap3A_92 = tpu.vector_load %arg9[%swap3A_90, %swap3A_91] {strides = array<i32>} : memref<80x128xf32, #tpu.memory_space<vmem>>, vector<1x16xf32>,
      %swap3A_93 = vector.shape_cast %swap3A_92 : vector<1x16xf32> to vector<16xf32>
      %swap3A_94 = vector.shape_cast %add3A_89 : vector<16xf32> to vector<1x16xf32>
      tpu.vector_store %arg9[%swap3A_90, %swap3A_91], %swap3A_94 {strides = array<i32>} : memref<80x128xf32, #tpu.memory_space<vmem>>, vector<1x16xf32>,
      %get3A_95 = arith.index_cast %scan3A_26 : i32 to index
      %get3A_96 = arith.constant 80 : index
      %get3A_97 = tpu.vector_load %arg9[%get3A_95, %get3A_96] {strides = array<i32>} : memref<80x128xf32, #tpu.memory_space<vmem>>, vector<1x16xf32>,
      %get3A_98 = vector.shape_cast %get3A_97 : vector<1x16xf32> to vector<16xf32>
      %get3A_99 = arith.index_cast %scan3A_26 : i32 to index
      %get3A_100 = arith.constant 80 : index
      %get3A_101 = tpu.vector_load %arg10[%get3A_99, %get3A_100] {strides = array<i32>} : memref<80x128xf32, #tpu.memory_space<vmem>>, vector<1x16xf32>,
      %get3A_102 = vector.shape_cast %get3A_101 : vector<1x16xf32> to vector<16xf32>
      %add3A_103 = arith.addf %get3A_98, %get3A_102 : vector<16xf32>
      %swap3A_104 = arith.index_cast %scan3A_26 : i32 to index
      %swap3A_105 = arith.constant 80 : index
      %swap3A_106 = tpu.vector_load %arg9[%swap3A_104, %swap3A_105] {strides = array<i32>} : memref<80x128xf32, #tpu.memory_space<vmem>>, vector<1x16xf32>,
      %swap3A_107 = vector.shape_cast %swap3A_106 : vector<1x16xf32> to vector<16xf32>
      %swap3A_108 = vector.shape_cast %add3A_103 : vector<16xf32> to vector<1x16xf32>
      tpu.vector_store %arg9[%swap3A_104, %swap3A_105], %swap3A_108 {strides = array<i32>} : memref<80x128xf32, #tpu.memory_space<vmem>>, vector<1x16xf32>,
      %get3A_109 = arith.index_cast %scan3A_26 : i32 to index
      %get3A_110 = arith.constant 96 : index
      %get3A_111 = tpu.vector_load %arg9[%get3A_109, %get3A_110] {strides = array<i32>} : memref<80x128xf32, #tpu.memory_space<vmem>>, vector<1x16xf32>,
      %get3A_112 = vector.shape_cast %get3A_111 : vector<1x16xf32> to vector<16xf32>
      %get3A_113 = arith.index_cast %scan3A_26 : i32 to index
      %get3A_114 = arith.constant 96 : index
      %get3A_115 = tpu.vector_load %arg10[%get3A_113, %get3A_114] {strides = array<i32>} : memref<80x128xf32, #tpu.memory_space<vmem>>, vector<1x16xf32>,
      %get3A_116 = vector.shape_cast %get3A_115 : vector<1x16xf32> to vector<16xf32>
      %add3A_117 = arith.addf %get3A_112, %get3A_116 : vector<16xf32>
      %swap3A_118 = arith.index_cast %scan3A_26 : i32 to index
      %swap3A_119 = arith.constant 96 : index
      %swap3A_120 = tpu.vector_load %arg9[%swap3A_118, %swap3A_119] {strides = array<i32>} : memref<80x128xf32, #tpu.memory_space<vmem>>, vector<1x16xf32>,
      %swap3A_121 = vector.shape_cast %swap3A_120 : vector<1x16xf32> to vector<16xf32>
      %swap3A_122 = vector.shape_cast %add3A_117 : vector<16xf32> to vector<1x16xf32>
      tpu.vector_store %arg9[%swap3A_118, %swap3A_119], %swap3A_122 {strides = array<i32>} : memref<80x128xf32, #tpu.memory_space<vmem>>, vector<1x16xf32>,
      %get3A_123 = arith.index_cast %scan3A_26 : i32 to index
      %get3A_124 = arith.constant 112 : index
      %get3A_125 = tpu.vector_load %arg9[%get3A_123, %get3A_124] {strides = array<i32>} : memref<80x128xf32, #tpu.memory_space<vmem>>, vector<1x16xf32>,
      %get3A_126 = vector.shape_cast %get3A_125 : vector<1x16xf32> to vector<16xf32>
      %get3A_127 = arith.index_cast %scan3A_26 : i32 to index
      %get3A_128 = arith.constant 112 : index
      %get3A_129 = tpu.vector_load %arg10[%get3A_127, %get3A_128] {strides = array<i32>} : memref<80x128xf32, #tpu.memory_space<vmem>>, vector<1x16xf32>,
      %get3A_130 = vector.shape_cast %get3A_129 : vector<1x16xf32> to vector<16xf32>
      %add3A_131 = arith.addf %get3A_126, %get3A_130 : vector<16xf32>
      %swap3A_132 = arith.index_cast %scan3A_26 : i32 to index
      %swap3A_133 = arith.constant 112 : index
      %swap3A_134 = tpu.vector_load %arg9[%swap3A_132, %swap3A_133] {strides = array<i32>} : memref<80x128xf32, #tpu.memory_space<vmem>>, vector<1x16xf32>,
      %swap3A_135 = vector.shape_cast %swap3A_134 : vector<1x16xf32> to vector<16xf32>
      %swap3A_136 = vector.shape_cast %add3A_131 : vector<16xf32> to vector<1x16xf32>
      tpu.vector_store %arg9[%swap3A_132, %swap3A_133], %swap3A_136 {strides = array<i32>} : memref<80x128xf32, #tpu.memory_space<vmem>>, vector<1x16xf32>,
    }
    %scan3A_25 = arith.constant 80 : i32
    "tpu.region"() ({
      %run_scoped3A = tpu.sem_alloc : memref<!tpu.dma_semaphore, #tpu.memory_space<semaphore_mem>>
      %dma_start3A_26 = arith.constant 0 : i32
      %dma_start3A_27 = tpu.memref_slice %arg6[%add3A_14, %dma_start3A_26] : memref<320000x128xf32, #tpu.memory_space<hbm>> -> memref<80x128xf32, #tpu.memory_space<hbm>>
      %dma_start3A_28 = arith.constant 0 : i32
      %dma_start3A_29 = tpu.memref_slice %arg6[%add3A_14, %dma_start3A_28] : memref<320000x128xf32, #tpu.memory_space<hbm>> -> memref<80x128xf32, #tpu.memory_space<hbm>>
      tpu.enqueue_dma source(%arg9 : memref<80x128xf32, #tpu.memory_space<vmem>>) target(%dma_start3A_29 : memref<80x128xf32, #tpu.memory_space<hbm>>) target_semaphore(%run_scoped3A : memref<!tpu.dma_semaphore, #tpu.memory_space<semaphore_mem>>)
      %dma_wait3A_30 = arith.constant 0 : i32
      %dma_wait3A_31 = tpu.memref_slice %arg6[%add3A_14, %dma_wait3A_30] : memref<320000x128xf32, #tpu.memory_space<hbm>> -> memref<80x128xf32, #tpu.memory_space<hbm>>
      %dma_wait3A_32 = arith.constant 0 : i32
      %dma_wait3A_33 = tpu.memref_slice %arg6[%add3A_14, %dma_wait3A_32] : memref<320000x128xf32, #tpu.memory_space<hbm>> -> memref<80x128xf32, #tpu.memory_space<hbm>>
      tpu.wait_dma2 semaphore(%run_scoped3A : memref<!tpu.dma_semaphore, #tpu.memory_space<semaphore_mem>>) src(%arg9 : memref<80x128xf32, #tpu.memory_space<vmem>>) dst(%dma_wait3A_33 : memref<80x128xf32, #tpu.memory_space<hbm>>)
      tpu.yield
    }) : () -> ()
    return
  }
}

module attributes {stable_mosaic.version = 14 : i64} {
  func.func @_matmul_body(%arg0: i32, %arg1: memref<1000x128xf32, #tpu.memory_space<vmem>>, %arg2: memref<128x128xf32, #tpu.memory_space<vmem>>, %arg3: memref<1000x128xf32, #tpu.memory_space<vmem>>) attributes {dimension_semantics = [#tpu.dimension_semantics<arbitrary>], iteration_bounds = array<i64: 50>, scalar_prefetch = 0 : i64, scratch_operands = 0 : i64, tpu.core_type = #tpu.core_type<tc>, window_params = [{transform_indices = @transform_0, window_bounds = array<i64: 1000, 128>}, {pipeline_mode = #tpu.pipeline_mode<synchronous>, transform_indices = @transform_1, window_bounds = array<i64: 128, 128>}, {transform_indices = @transform_2, window_bounds = array<i64: 1000, 128>}]} {
    %get3A = arith.constant 0 : index
    %get3A_0 = arith.constant 0 : index
    %get3A_1 = vector.load %arg1[%get3A, %get3A_0] : memref<1000x128xf32, #tpu.memory_space<vmem>>, vector<1000x128xf32>
    %get3A_2 = arith.constant 0 : index
    %get3A_3 = arith.constant 0 : index
    %get3A_4 = vector.load %arg2[%get3A_2, %get3A_3] : memref<128x128xf32, #tpu.memory_space<vmem>>, vector<128x128xf32>
    %dot_general3A = arith.constant dense<0.000000e+00> : vector<1000x128xf32>
    %dot_general3A_5 = tpu.matmul %get3A_1, %get3A_4, %dot_general3A {dimension_numbers = #tpu.dot_dimension_numbers<[1], [0], [0], [1], [0, 0, 1, 1], [], []>, transpose_lhs_hint = false} : vector<1000x128xf32>, vector<128x128xf32>, vector<1000x128xf32> -> vector<1000x128xf32>
    %swap3A = arith.constant 0 : index
    %swap3A_6 = arith.constant 0 : index
    %swap3A_7 = vector.load %arg3[%swap3A, %swap3A_6] : memref<1000x128xf32, #tpu.memory_space<vmem>>, vector<1000x128xf32>
    tpu.vector_store %arg3[%swap3A, %swap3A_6], %dot_general3A_5 {strides = array<i32>} : memref<1000x128xf32, #tpu.memory_space<vmem>>, vector<1000x128xf32>,
    return
  }
  func.func @transform_0(%arg0: i32) -> (i32, i32) {
    %c0_i32 = arith.constant 0 : i32
    %c0_i32_0 = arith.constant 0 : i32
    return %arg0, %c0_i32 : i32, i32
  }
  func.func @transform_1(%arg0: i32) -> (i32, i32) {
    %c0_i32 = arith.constant 0 : i32
    %c0_i32_0 = arith.constant 0 : i32
    %c0_i32_1 = arith.constant 0 : i32
    return %c0_i32, %c0_i32_0 : i32, i32
  }
  func.func @transform_2(%arg0: i32) -> (i32, i32) {
    %c0_i32 = arith.constant 0 : i32
    %c0_i32_0 = arith.constant 0 : i32
    return %arg0, %c0_i32 : i32, i32
  }
}

module attributes {stable_mosaic.version = 14 : i64} {
  func.func @_matmul_body(%arg0: i32, %arg1: memref<400x128xf32, #tpu.memory_space<vmem>>, %arg2: memref<128x128xf32, #tpu.memory_space<vmem>>, %arg3: memref<400x128xf32, #tpu.memory_space<vmem>>) attributes {dimension_semantics = [#tpu.dimension_semantics<arbitrary>], iteration_bounds = array<i64: 25>, scalar_prefetch = 0 : i64, scratch_operands = 0 : i64, tpu.core_type = #tpu.core_type<tc>, window_params = [{transform_indices = @transform_0, window_bounds = array<i64: 400, 128>}, {pipeline_mode = #tpu.pipeline_mode<synchronous>, transform_indices = @transform_1, window_bounds = array<i64: 128, 128>}, {transform_indices = @transform_2, window_bounds = array<i64: 400, 128>}]} {
    %get3A = arith.constant 0 : index
    %get3A_0 = arith.constant 0 : index
    %get3A_1 = vector.load %arg1[%get3A, %get3A_0] : memref<400x128xf32, #tpu.memory_space<vmem>>, vector<400x128xf32>
    %get3A_2 = arith.constant 0 : index
    %get3A_3 = arith.constant 0 : index
    %get3A_4 = vector.load %arg2[%get3A_2, %get3A_3] : memref<128x128xf32, #tpu.memory_space<vmem>>, vector<128x128xf32>
    %dot_general3A = arith.constant dense<0.000000e+00> : vector<400x128xf32>
    %dot_general3A_5 = tpu.matmul %get3A_1, %get3A_4, %dot_general3A {dimension_numbers = #tpu.dot_dimension_numbers<[1], [0], [0], [1], [0, 0, 1, 1], [], []>, transpose_lhs_hint = false} : vector<400x128xf32>, vector<128x128xf32>, vector<400x128xf32> -> vector<400x128xf32>
    %swap3A = arith.constant 0 : index
    %swap3A_6 = arith.constant 0 : index
    %swap3A_7 = vector.load %arg3[%swap3A, %swap3A_6] : memref<400x128xf32, #tpu.memory_space<vmem>>, vector<400x128xf32>
    tpu.vector_store %arg3[%swap3A, %swap3A_6], %dot_general3A_5 {strides = array<i32>} : memref<400x128xf32, #tpu.memory_space<vmem>>, vector<400x128xf32>,
    return
  }
  func.func @transform_0(%arg0: i32) -> (i32, i32) {
    %c0_i32 = arith.constant 0 : i32
    %c0_i32_0 = arith.constant 0 : i32
    return %arg0, %c0_i32 : i32, i32
  }
  func.func @transform_1(%arg0: i32) -> (i32, i32) {
    %c0_i32 = arith.constant 0 : i32
    %c0_i32_0 = arith.constant 0 : i32
    %c0_i32_1 = arith.constant 0 : i32
    return %c0_i32, %c0_i32_0 : i32, i32
  }
  func.func @transform_2(%arg0: i32) -> (i32, i32) {
    %c0_i32 = arith.constant 0 : i32
    %c0_i32_0 = arith.constant 0 : i32
    return %arg0, %c0_i32 : i32, i32
  }
}

module attributes {stable_mosaic.version = 14 : i64} {
  func.func @_rowptr_body(%arg0: i32, %arg1: memref<5x1x512xi32, #tpu.memory_space<vmem>>, %arg2: memref<1x640xi32, #tpu.memory_space<vmem>>) attributes {dimension_semantics = [#tpu.dimension_semantics<arbitrary>], iteration_bounds = array<i64: 125>, scalar_prefetch = 0 : i64, scratch_operands = 0 : i64, tpu.core_type = #tpu.core_type<tc>, window_params = [{transform_indices = @transform_0, window_bounds = array<i64: 5, 1, 512>}, {pipeline_mode = #tpu.pipeline_mode<synchronous>, transform_indices = @transform_1, window_bounds = array<i64: 1, 640>}]} {
    %eq3A = arith.constant 0 : i32
    %eq3A_0 = arith.cmpi eq, %arg0, %eq3A : i32
    %convert_element_type3A = arith.extui %eq3A_0 : i1 to i32
    %cond3A = arith.constant 0 : i32
    %cond3A_1 = arith.cmpi ne, %convert_element_type3A, %cond3A : i32
    scf.if %cond3A_1 {
      %broadcast_in_dim3A_76 = arith.constant 0 : i32
      %broadcast_in_dim3A_77 = vector.broadcast %broadcast_in_dim3A_76 : i32 to vector<1x640xi32>
      %swap3A_78 = arith.constant 0 : index
      %swap3A_79 = arith.constant 0 : index
      %swap3A_80 = vector.load %arg2[%swap3A_78, %swap3A_79] : memref<1x640xi32, #tpu.memory_space<vmem>>, vector<1x640xi32>
      tpu.vector_store %arg2[%swap3A_78, %swap3A_79], %broadcast_in_dim3A_77 {strides = array<i32>} : memref<1x640xi32, #tpu.memory_space<vmem>>, vector<1x640xi32>,
    } else {
    }
    %iota3A = tpu.iota {dimensions = array<i32: 1>} : vector<1x640xi32>
    %mul3A = arith.constant 400 : i32
    %mul3A_2 = vector.broadcast %mul3A : i32 to vector<1x640xi32>
    %mul3A_3 = arith.muli %iota3A, %mul3A_2 : vector<1x640xi32>
    %broadcast_in_dim3A = arith.constant 0 : i32
    %broadcast_in_dim3A_4 = vector.broadcast %broadcast_in_dim3A : i32 to vector<1x640xi32>
    %get3A = arith.constant 0 : index
    %get3A_5 = arith.constant 0 : index
    %get3A_6 = arith.constant 0 : index
    %get3A_7 = vector.load %arg1[%get3A, %get3A_5, %get3A_6] : memref<5x1x512xi32, #tpu.memory_space<vmem>>, vector<1x1x512xi32>
    %get3A_8 = vector.shape_cast %get3A_7 : vector<1x1x512xi32> to vector<1x512xi32>
    %reshape3A = vector.shape_cast %get3A_8 : vector<1x512xi32> to vector<512x1xi32>
    %lt3A = vector.broadcast %reshape3A : vector<512x1xi32> to vector<512x640xi32>
    %lt3A_9 = vector.broadcast %mul3A_3 : vector<1x640xi32> to vector<512x640xi32>
    %lt3A_10 = arith.cmpi slt, %lt3A, %lt3A_9 : vector<512x640xi32>
    %convert_element_type3A_11 = arith.extui %lt3A_10 : vector<512x640xi1> to vector<512x640xi32>
    %reduce_sum3A = arith.constant dense<0> : vector<640xi32>
    %reduce_sum3A_12 = vector.multi_reduction <add>, %convert_element_type3A_11, %reduce_sum3A [0] : vector<512x640xi32> to vector<640xi32>
    %broadcast_in_dim3A_13 = vector.shape_cast %reduce_sum3A_12 : vector<640xi32> to vector<1x640xi32>
    %add3A = arith.addi %broadcast_in_dim3A_4, %broadcast_in_dim3A_13 : vector<1x640xi32>
    %get3A_14 = arith.constant 1 : index
    %get3A_15 = arith.constant 0 : index
    %get3A_16 = arith.constant 0 : index
    %get3A_17 = vector.load %arg1[%get3A_14, %get3A_15, %get3A_16] : memref<5x1x512xi32, #tpu.memory_space<vmem>>, vector<1x1x512xi32>
    %get3A_18 = vector.shape_cast %get3A_17 : vector<1x1x512xi32> to vector<1x512xi32>
    %reshape3A_19 = vector.shape_cast %get3A_18 : vector<1x512xi32> to vector<512x1xi32>
    %lt3A_20 = vector.broadcast %reshape3A_19 : vector<512x1xi32> to vector<512x640xi32>
    %lt3A_21 = vector.broadcast %mul3A_3 : vector<1x640xi32> to vector<512x640xi32>
    %lt3A_22 = arith.cmpi slt, %lt3A_20, %lt3A_21 : vector<512x640xi32>
    %convert_element_type3A_23 = arith.extui %lt3A_22 : vector<512x640xi1> to vector<512x640xi32>
    %reduce_sum3A_24 = arith.constant dense<0> : vector<640xi32>
    %reduce_sum3A_25 = vector.multi_reduction <add>, %convert_element_type3A_23, %reduce_sum3A_24 [0] : vector<512x640xi32> to vector<640xi32>
    %broadcast_in_dim3A_26 = vector.shape_cast %reduce_sum3A_25 : vector<640xi32> to vector<1x640xi32>
    %add3A_27 = arith.addi %add3A, %broadcast_in_dim3A_26 : vector<1x640xi32>
    %get3A_28 = arith.constant 2 : index
    %get3A_29 = arith.constant 0 : index
    %get3A_30 = arith.constant 0 : index
    %get3A_31 = vector.load %arg1[%get3A_28, %get3A_29, %get3A_30] : memref<5x1x512xi32, #tpu.memory_space<vmem>>, vector<1x1x512xi32>
    %get3A_32 = vector.shape_cast %get3A_31 : vector<1x1x512xi32> to vector<1x512xi32>
    %reshape3A_33 = vector.shape_cast %get3A_32 : vector<1x512xi32> to vector<512x1xi32>
    %lt3A_34 = vector.broadcast %reshape3A_33 : vector<512x1xi32> to vector<512x640xi32>
    %lt3A_35 = vector.broadcast %mul3A_3 : vector<1x640xi32> to vector<512x640xi32>
    %lt3A_36 = arith.cmpi slt, %lt3A_34, %lt3A_35 : vector<512x640xi32>
    %convert_element_type3A_37 = arith.extui %lt3A_36 : vector<512x640xi1> to vector<512x640xi32>
    %reduce_sum3A_38 = arith.constant dense<0> : vector<640xi32>
    %reduce_sum3A_39 = vector.multi_reduction <add>, %convert_element_type3A_37, %reduce_sum3A_38 [0] : vector<512x640xi32> to vector<640xi32>
    %broadcast_in_dim3A_40 = vector.shape_cast %reduce_sum3A_39 : vector<640xi32> to vector<1x640xi32>
    %add3A_41 = arith.addi %add3A_27, %broadcast_in_dim3A_40 : vector<1x640xi32>
    %get3A_42 = arith.constant 3 : index
    %get3A_43 = arith.constant 0 : index
    %get3A_44 = arith.constant 0 : index
    %get3A_45 = vector.load %arg1[%get3A_42, %get3A_43, %get3A_44] : memref<5x1x512xi32, #tpu.memory_space<vmem>>, vector<1x1x512xi32>
    %get3A_46 = vector.shape_cast %get3A_45 : vector<1x1x512xi32> to vector<1x512xi32>
    %reshape3A_47 = vector.shape_cast %get3A_46 : vector<1x512xi32> to vector<512x1xi32>
    %lt3A_48 = vector.broadcast %reshape3A_47 : vector<512x1xi32> to vector<512x640xi32>
    %lt3A_49 = vector.broadcast %mul3A_3 : vector<1x640xi32> to vector<512x640xi32>
    %lt3A_50 = arith.cmpi slt, %lt3A_48, %lt3A_49 : vector<512x640xi32>
    %convert_element_type3A_51 = arith.extui %lt3A_50 : vector<512x640xi1> to vector<512x640xi32>
    %reduce_sum3A_52 = arith.constant dense<0> : vector<640xi32>
    %reduce_sum3A_53 = vector.multi_reduction <add>, %convert_element_type3A_51, %reduce_sum3A_52 [0] : vector<512x640xi32> to vector<640xi32>
    %broadcast_in_dim3A_54 = vector.shape_cast %reduce_sum3A_53 : vector<640xi32> to vector<1x640xi32>
    %add3A_55 = arith.addi %add3A_41, %broadcast_in_dim3A_54 : vector<1x640xi32>
    %get3A_56 = arith.constant 4 : index
    %get3A_57 = arith.constant 0 : index
    %get3A_58 = arith.constant 0 : index
    %get3A_59 = vector.load %arg1[%get3A_56, %get3A_57, %get3A_58] : memref<5x1x512xi32, #tpu.memory_space<vmem>>, vector<1x1x512xi32>
    %get3A_60 = vector.shape_cast %get3A_59 : vector<1x1x512xi32> to vector<1x512xi32>
    %reshape3A_61 = vector.shape_cast %get3A_60 : vector<1x512xi32> to vector<512x1xi32>
    %lt3A_62 = vector.broadcast %reshape3A_61 : vector<512x1xi32> to vector<512x640xi32>
    %lt3A_63 = vector.broadcast %mul3A_3 : vector<1x640xi32> to vector<512x640xi32>
    %lt3A_64 = arith.cmpi slt, %lt3A_62, %lt3A_63 : vector<512x640xi32>
    %convert_element_type3A_65 = arith.extui %lt3A_64 : vector<512x640xi1> to vector<512x640xi32>
    %reduce_sum3A_66 = arith.constant dense<0> : vector<640xi32>
    %reduce_sum3A_67 = vector.multi_reduction <add>, %convert_element_type3A_65, %reduce_sum3A_66 [0] : vector<512x640xi32> to vector<640xi32>
    %broadcast_in_dim3A_68 = vector.shape_cast %reduce_sum3A_67 : vector<640xi32> to vector<1x640xi32>
    %add3A_69 = arith.addi %add3A_55, %broadcast_in_dim3A_68 : vector<1x640xi32>
    %get3A_70 = arith.constant 0 : index
    %get3A_71 = arith.constant 0 : index
    %get3A_72 = vector.load %arg2[%get3A_70, %get3A_71] : memref<1x640xi32, #tpu.memory_space<vmem>>, vector<1x640xi32>
    %add3A_73 = arith.addi %get3A_72, %add3A_69 : vector<1x640xi32>
    %swap3A = arith.constant 0 : index
    %swap3A_74 = arith.constant 0 : index
    %swap3A_75 = vector.load %arg2[%swap3A, %swap3A_74] : memref<1x640xi32, #tpu.memory_space<vmem>>, vector<1x640xi32>
    tpu.vector_store %arg2[%swap3A, %swap3A_74], %add3A_73 {strides = array<i32>} : memref<1x640xi32, #tpu.memory_space<vmem>>, vector<1x640xi32>,
    return
  }
  func.func @transform_0(%arg0: i32) -> (i32, i32, i32) {
    %c0_i32 = arith.constant 0 : i32
    %c0_i32_0 = arith.constant 0 : i32
    %c0_i32_1 = arith.constant 0 : i32
    return %arg0, %c0_i32, %c0_i32_0 : i32, i32, i32
  }
  func.func @transform_1(%arg0: i32) -> (i32, i32) {
    %c0_i32 = arith.constant 0 : i32
    %c0_i32_0 = arith.constant 0 : i32
    %c0_i32_1 = arith.constant 0 : i32
    return %c0_i32, %c0_i32_0 : i32, i32
  }
}

module attributes {stable_mosaic.version = 14 : i64} {
  func.func @_edge_mlp_body(%arg0: i32, %arg1: memref<512x128xf32, #tpu.memory_space<vmem>>, %arg2: memref<512x128xf32, #tpu.memory_space<vmem>>, %arg3: memref<128x128xf32, #tpu.memory_space<vmem>>, %arg4: memref<1x128xf32, #tpu.memory_space<vmem>>, %arg5: memref<128x128xf32, #tpu.memory_space<vmem>>, %arg6: memref<1x128xf32, #tpu.memory_space<vmem>>, %arg7: memref<1x128xf32, #tpu.memory_space<vmem>>, %arg8: memref<1x128xf32, #tpu.memory_space<vmem>>, %arg9: memref<512x128xf32, #tpu.memory_space<vmem>>) attributes {dimension_semantics = [#tpu.dimension_semantics<arbitrary>], iteration_bounds = array<i64: 625>, scalar_prefetch = 0 : i64, scratch_operands = 0 : i64, tpu.core_type = #tpu.core_type<tc>, window_params = [{transform_indices = @transform_0, window_bounds = array<i64: 512, 128>}, {transform_indices = @transform_1, window_bounds = array<i64: 512, 128>}, {pipeline_mode = #tpu.pipeline_mode<synchronous>, transform_indices = @transform_2, window_bounds = array<i64: 128, 128>}, {pipeline_mode = #tpu.pipeline_mode<synchronous>, transform_indices = @transform_3, window_bounds = array<i64: 1, 128>}, {pipeline_mode = #tpu.pipeline_mode<synchronous>, transform_indices = @transform_4, window_bounds = array<i64: 128, 128>}, {pipeline_mode = #tpu.pipeline_mode<synchronous>, transform_indices = @transform_5, window_bounds = array<i64: 1, 128>}, {pipeline_mode = #tpu.pipeline_mode<synchronous>, transform_indices = @transform_6, window_bounds = array<i64: 1, 128>}, {pipeline_mode = #tpu.pipeline_mode<synchronous>, transform_indices = @transform_7, window_bounds = array<i64: 1, 128>}, {transform_indices = @transform_8, window_bounds = array<i64: 512, 128>}]} {
    %get3A = arith.constant 0 : index
    %get3A_0 = arith.constant 0 : index
    %get3A_1 = vector.load %arg1[%get3A, %get3A_0] : memref<512x128xf32, #tpu.memory_space<vmem>>, vector<512x128xf32>
    %get3A_2 = arith.constant 0 : index
    %get3A_3 = arith.constant 0 : index
    %get3A_4 = vector.load %arg3[%get3A_2, %get3A_3] : memref<128x128xf32, #tpu.memory_space<vmem>>, vector<128x128xf32>
    %dot_general3A = arith.constant dense<0.000000e+00> : vector<512x128xf32>
    %dot_general3A_5 = tpu.matmul %get3A_1, %get3A_4, %dot_general3A {dimension_numbers = #tpu.dot_dimension_numbers<[1], [0], [0], [1], [0, 0, 1, 1], [], []>, transpose_lhs_hint = false} : vector<512x128xf32>, vector<128x128xf32>, vector<512x128xf32> -> vector<512x128xf32>
    %get3A_6 = arith.constant 0 : index
    %get3A_7 = arith.constant 0 : index
    %get3A_8 = vector.load %arg2[%get3A_6, %get3A_7] : memref<512x128xf32, #tpu.memory_space<vmem>>, vector<512x128xf32>
    %add3A = arith.addf %dot_general3A_5, %get3A_8 : vector<512x128xf32>
    %get3A_9 = arith.constant 0 : index
    %get3A_10 = arith.constant 0 : index
    %get3A_11 = vector.load %arg4[%get3A_9, %get3A_10] : memref<1x128xf32, #tpu.memory_space<vmem>>, vector<1x128xf32>
    %add3A_12 = vector.broadcast %get3A_11 : vector<1x128xf32> to vector<512x128xf32>
    %add3A_13 = arith.addf %add3A, %add3A_12 : vector<512x128xf32>
    %logistic3A = arith.negf %add3A_13 : vector<512x128xf32>
    %logistic3A_14 = math.exp %logistic3A : vector<512x128xf32>
    %logistic3A_15 = arith.constant 1.000000e+00 : f32
    %logistic3A_16 = vector.broadcast %logistic3A_15 : f32 to vector<512x128xf32>
    %logistic3A_17 = arith.addf %logistic3A_16, %logistic3A_14 : vector<512x128xf32>
    %logistic3A_18 = arith.divf %logistic3A_16, %logistic3A_17 : vector<512x128xf32>
    %mul3A = arith.mulf %add3A_13, %logistic3A_18 : vector<512x128xf32>
    %get3A_19 = arith.constant 0 : index
    %get3A_20 = arith.constant 0 : index
    %get3A_21 = vector.load %arg5[%get3A_19, %get3A_20] : memref<128x128xf32, #tpu.memory_space<vmem>>, vector<128x128xf32>
    %dot_general3A_22 = arith.constant dense<0.000000e+00> : vector<512x128xf32>
    %dot_general3A_23 = tpu.matmul %mul3A, %get3A_21, %dot_general3A_22 {dimension_numbers = #tpu.dot_dimension_numbers<[1], [0], [0], [1], [0, 0, 1, 1], [], []>, transpose_lhs_hint = false} : vector<512x128xf32>, vector<128x128xf32>, vector<512x128xf32> -> vector<512x128xf32>
    %get3A_24 = arith.constant 0 : index
    %get3A_25 = arith.constant 0 : index
    %get3A_26 = vector.load %arg6[%get3A_24, %get3A_25] : memref<1x128xf32, #tpu.memory_space<vmem>>, vector<1x128xf32>
    %add3A_27 = vector.broadcast %get3A_26 : vector<1x128xf32> to vector<512x128xf32>
    %add3A_28 = arith.addf %dot_general3A_23, %add3A_27 : vector<512x128xf32>
    %reduce_sum3A = arith.constant dense<0.000000e+00> : vector<512xf32>
    %reduce_sum3A_29 = vector.multi_reduction <add>, %add3A_28, %reduce_sum3A [1] : vector<512x128xf32> to vector<512xf32>
    %broadcast_in_dim3A = vector.shape_cast %reduce_sum3A_29 : vector<512xf32> to vector<512x1xf32>
    %div3A = arith.constant 1.280000e+02 : f32
    %div3A_30 = vector.broadcast %div3A : f32 to vector<512x1xf32>
    %div3A_31 = arith.divf %broadcast_in_dim3A, %div3A_30 : vector<512x1xf32>
    %sub3A = vector.broadcast %div3A_31 : vector<512x1xf32> to vector<512x128xf32>
    %sub3A_32 = arith.subf %add3A_28, %sub3A : vector<512x128xf32>
    %integer_pow3A = arith.mulf %sub3A_32, %sub3A_32 : vector<512x128xf32>
    %reduce_sum3A_33 = arith.constant dense<0.000000e+00> : vector<512xf32>
    %reduce_sum3A_34 = vector.multi_reduction <add>, %integer_pow3A, %reduce_sum3A_33 [1] : vector<512x128xf32> to vector<512xf32>
    %broadcast_in_dim3A_35 = vector.shape_cast %reduce_sum3A_34 : vector<512xf32> to vector<512x1xf32>
    %div3A_36 = arith.constant 1.280000e+02 : f32
    %div3A_37 = vector.broadcast %div3A_36 : f32 to vector<512x1xf32>
    %div3A_38 = arith.divf %broadcast_in_dim3A_35, %div3A_37 : vector<512x1xf32>
    %sub3A_39 = vector.broadcast %div3A_31 : vector<512x1xf32> to vector<512x128xf32>
    %sub3A_40 = arith.subf %add3A_28, %sub3A_39 : vector<512x128xf32>
    %add3A_41 = arith.constant 9.99999974E-6 : f32
    %add3A_42 = vector.broadcast %add3A_41 : f32 to vector<512x1xf32>
    %add3A_43 = arith.addf %div3A_38, %add3A_42 : vector<512x1xf32>
    %rsqrt3A = math.rsqrt %add3A_43 : vector<512x1xf32>
    %mul3A_44 = vector.broadcast %rsqrt3A : vector<512x1xf32> to vector<512x128xf32>
    %mul3A_45 = arith.mulf %sub3A_40, %mul3A_44 : vector<512x128xf32>
    %get3A_46 = arith.constant 0 : index
    %get3A_47 = arith.constant 0 : index
    %get3A_48 = vector.load %arg7[%get3A_46, %get3A_47] : memref<1x128xf32, #tpu.memory_space<vmem>>, vector<1x128xf32>
    %mul3A_49 = vector.broadcast %get3A_48 : vector<1x128xf32> to vector<512x128xf32>
    %mul3A_50 = arith.mulf %mul3A_45, %mul3A_49 : vector<512x128xf32>
    %get3A_51 = arith.constant 0 : index
    %get3A_52 = arith.constant 0 : index
    %get3A_53 = vector.load %arg8[%get3A_51, %get3A_52] : memref<1x128xf32, #tpu.memory_space<vmem>>, vector<1x128xf32>
    %add3A_54 = vector.broadcast %get3A_53 : vector<1x128xf32> to vector<512x128xf32>
    %add3A_55 = arith.addf %mul3A_50, %add3A_54 : vector<512x128xf32>
    %swap3A = arith.constant 0 : index
    %swap3A_56 = arith.constant 0 : index
    %swap3A_57 = vector.load %arg9[%swap3A, %swap3A_56] : memref<512x128xf32, #tpu.memory_space<vmem>>, vector<512x128xf32>
    tpu.vector_store %arg9[%swap3A, %swap3A_56], %add3A_55 {strides = array<i32>} : memref<512x128xf32, #tpu.memory_space<vmem>>, vector<512x128xf32>,
    return
  }
  func.func @transform_0(%arg0: i32) -> (i32, i32) {
    %c0_i32 = arith.constant 0 : i32
    %c0_i32_0 = arith.constant 0 : i32
    return %arg0, %c0_i32 : i32, i32
  }
  func.func @transform_1(%arg0: i32) -> (i32, i32) {
    %c0_i32 = arith.constant 0 : i32
    %c0_i32_0 = arith.constant 0 : i32
    return %arg0, %c0_i32 : i32, i32
  }
  func.func @transform_2(%arg0: i32) -> (i32, i32) {
    %c0_i32 = arith.constant 0 : i32
    %c0_i32_0 = arith.constant 0 : i32
    %c0_i32_1 = arith.constant 0 : i32
    return %c0_i32, %c0_i32_0 : i32, i32
  }
  func.func @transform_3(%arg0: i32) -> (i32, i32) {
    %c0_i32 = arith.constant 0 : i32
    %c0_i32_0 = arith.constant 0 : i32
    %c0_i32_1 = arith.constant 0 : i32
    return %c0_i32, %c0_i32_0 : i32, i32
  }
  func.func @transform_4(%arg0: i32) -> (i32, i32) {
    %c0_i32 = arith.constant 0 : i32
    %c0_i32_0 = arith.constant 0 : i32
    %c0_i32_1 = arith.constant 0 : i32
    return %c0_i32, %c0_i32_0 : i32, i32
  }
  func.func @transform_5(%arg0: i32) -> (i32, i32) {
    %c0_i32 = arith.constant 0 : i32
    %c0_i32_0 = arith.constant 0 : i32
    %c0_i32_1 = arith.constant 0 : i32
    return %c0_i32, %c0_i32_0 : i32, i32
  }
  func.func @transform_6(%arg0: i32) -> (i32, i32) {
    %c0_i32 = arith.constant 0 : i32
    %c0_i32_0 = arith.constant 0 : i32
    %c0_i32_1 = arith.constant 0 : i32
    return %c0_i32, %c0_i32_0 : i32, i32
  }
  func.func @transform_7(%arg0: i32) -> (i32, i32) {
    %c0_i32 = arith.constant 0 : i32
    %c0_i32_0 = arith.constant 0 : i32
    %c0_i32_1 = arith.constant 0 : i32
    return %c0_i32, %c0_i32_0 : i32, i32
  }
  func.func @transform_8(%arg0: i32) -> (i32, i32) {
    %c0_i32 = arith.constant 0 : i32
    %c0_i32_0 = arith.constant 0 : i32
    return %arg0, %c0_i32 : i32, i32
  }
}

module attributes {stable_mosaic.version = 14 : i64} {
  func.func @_segsum_body(%arg0: i32, %arg1: memref<1x640xi32, #tpu.memory_space<smem>>, %arg2: memref<320000x128xf32, #tpu.memory_space<hbm>>, %arg3: memref<2500x128xi32, #tpu.memory_space<hbm>>, %arg4: memref<400x128xf32, #tpu.memory_space<vmem>>, %arg5: memref<400x128xf32, #tpu.memory_space<vmem>>, %arg6: memref<1024x128xf32, #tpu.memory_space<vmem>>, %arg7: memref<1024x128xf32, #tpu.memory_space<vmem>>, %arg8: memref<8x128xi32, #tpu.memory_space<vmem>>, %arg9: memref<8x128xi32, #tpu.memory_space<vmem>>, %arg10: memref<!tpu.dma_semaphore, #tpu.memory_space<semaphore_mem>>, %arg11: memref<!tpu.dma_semaphore, #tpu.memory_space<semaphore_mem>>, %arg12: memref<!tpu.dma_semaphore, #tpu.memory_space<semaphore_mem>>, %arg13: memref<!tpu.dma_semaphore, #tpu.memory_space<semaphore_mem>>) attributes {dimension_semantics = [#tpu.dimension_semantics<arbitrary>], iteration_bounds = array<i64: 125>, scalar_prefetch = 0 : i64, scratch_operands = 9 : i64, tpu.core_type = #tpu.core_type<tc>, window_params = [{transform_indices = @transform_0, window_bounds = array<i64: 1, 640>}, {}, {}, {transform_indices = @transform_3, window_bounds = array<i64: 400, 128>}]} {
    %get3A = arith.constant 0 : index
    %get3A_0 = arith.index_cast %arg0 : i32 to index
    %get3A_1 = memref.load %arg1[%get3A, %get3A_0] : memref<1x640xi32, #tpu.memory_space<smem>>
    %add3A = arith.constant 1 : i32
    %add3A_2 = arith.addi %arg0, %add3A : i32
    %get3A_3 = arith.constant 0 : index
    %get3A_4 = arith.index_cast %add3A_2 : i32 to index
    %get3A_5 = memref.load %arg1[%get3A_3, %get3A_4] : memref<1x640xi32, #tpu.memory_space<smem>>
    %mul3A = arith.constant 400 : i32
    %mul3A_6 = arith.muli %arg0, %mul3A : i32
    %iota3A = tpu.iota {dimensions = array<i32: 0>} : vector<400x128xi32>
    %iota3A_7 = tpu.iota {dimensions = array<i32: 1>} : vector<1x128xi32>
    %jit3A = arith.constant 128 : i32
    %div3A = arith.divsi %get3A_1, %jit3A : i32
    %sign3A = arith.constant 0 : i32
    %sign3A_8 = arith.cmpi sgt, %get3A_1, %sign3A : i32
    %sign3A_9 = arith.extui %sign3A_8 : i1 to i32
    %sign3A_10 = arith.constant 0 : i32
    %sign3A_11 = arith.cmpi slt, %get3A_1, %sign3A_10 : i32
    %sign3A_12 = arith.extui %sign3A_11 : i1 to i32
    %sign3A_13 = arith.subi %sign3A_9, %sign3A_12 : i32
    %sign3A_14 = arith.constant 0 : i32
    %sign3A_15 = arith.cmpi sgt, %jit3A, %sign3A_14 : i32
    %sign3A_16 = arith.extui %sign3A_15 : i1 to i32
    %sign3A_17 = arith.constant 0 : i32
    %sign3A_18 = arith.cmpi slt, %jit3A, %sign3A_17 : i32
    %sign3A_19 = arith.extui %sign3A_18 : i1 to i32
    %sign3A_20 = arith.subi %sign3A_16, %sign3A_19 : i32
    %ne3A = arith.cmpi ne, %sign3A_13, %sign3A_20 : i32
    %rem3A = arith.remsi %get3A_1, %jit3A : i32
    %ne3A_21 = arith.constant 0 : i32
    %ne3A_22 = arith.cmpi ne, %rem3A, %ne3A_21 : i32
    %and3A = arith.andi %ne3A, %ne3A_22 : i1
    %sub3A = arith.constant 1 : i32
    %sub3A_23 = arith.subi %div3A, %sub3A : i32
    %select_n3A = arith.select %and3A, %sub3A_23, %div3A : i32
    %mul3A_24 = arith.constant 128 : i32
    %mul3A_25 = arith.muli %select_n3A, %mul3A_24 : i32
    %broadcast_in_dim3A = arith.constant 0.000000e+00 : f32
    %broadcast_in_dim3A_26 = vector.broadcast %broadcast_in_dim3A : f32 to vector<400x128xf32>
    %swap3A = arith.constant 0 : index
    %swap3A_27 = arith.constant 0 : index
    %swap3A_28 = vector.load %arg5[%swap3A, %swap3A_27] : memref<400x128xf32, #tpu.memory_space<vmem>>, vector<400x128xf32>
    tpu.vector_store %arg5[%swap3A, %swap3A_27], %broadcast_in_dim3A_26 {strides = array<i32>} : memref<400x128xf32, #tpu.memory_space<vmem>>, vector<400x128xf32>,
    %lt3A = arith.cmpi slt, %mul3A_25, %get3A_5 : i32
    %convert_element_type3A = arith.extui %lt3A : i1 to i32
    %cond3A = arith.constant 0 : i32
    %cond3A_29 = arith.cmpi ne, %convert_element_type3A, %cond3A : i32
    scf.if %cond3A_29 {
      %min3A = arith.constant 318976 : i32
      %min3A_37 = arith.minsi %mul3A_25, %min3A : i32
      %dma_start3A = arith.constant 0 : i32
      %dma_start3A_38 = tpu.memref_slice %arg2[%min3A_37, %dma_start3A] : memref<320000x128xf32, #tpu.memory_space<hbm>> -> memref<1024x128xf32, #tpu.memory_space<hbm>>
      tpu.enqueue_dma source(%dma_start3A_38 : memref<1024x128xf32, #tpu.memory_space<hbm>>) target(%arg6 : memref<1024x128xf32, #tpu.memory_space<vmem>>) target_semaphore(%arg10 : memref<!tpu.dma_semaphore, #tpu.memory_space<semaphore_mem>>)
      %jit3A_39 = arith.constant 128 : i32
      %div3A_40 = arith.divsi %min3A_37, %jit3A_39 : i32
      %sign3A_41 = arith.constant 0 : i32
      %sign3A_42 = arith.cmpi sgt, %min3A_37, %sign3A_41 : i32
      %sign3A_43 = arith.extui %sign3A_42 : i1 to i32
      %sign3A_44 = arith.constant 0 : i32
      %sign3A_45 = arith.cmpi slt, %min3A_37, %sign3A_44 : i32
      %sign3A_46 = arith.extui %sign3A_45 : i1 to i32
      %sign3A_47 = arith.subi %sign3A_43, %sign3A_46 : i32
      %sign3A_48 = arith.constant 0 : i32
      %sign3A_49 = arith.cmpi sgt, %jit3A_39, %sign3A_48 : i32
      %sign3A_50 = arith.extui %sign3A_49 : i1 to i32
      %sign3A_51 = arith.constant 0 : i32
      %sign3A_52 = arith.cmpi slt, %jit3A_39, %sign3A_51 : i32
      %sign3A_53 = arith.extui %sign3A_52 : i1 to i32
      %sign3A_54 = arith.subi %sign3A_50, %sign3A_53 : i32
      %ne3A_55 = arith.cmpi ne, %sign3A_47, %sign3A_54 : i32
      %rem3A_56 = arith.remsi %min3A_37, %jit3A_39 : i32
      %ne3A_57 = arith.constant 0 : i32
      %ne3A_58 = arith.cmpi ne, %rem3A_56, %ne3A_57 : i32
      %and3A_59 = arith.andi %ne3A_55, %ne3A_58 : i1
      %sub3A_60 = arith.constant 1 : i32
      %sub3A_61 = arith.subi %div3A_40, %sub3A_60 : i32
      %select_n3A_62 = arith.select %and3A_59, %sub3A_61, %div3A_40 : i32
      %dma_start3A_63 = arith.constant 0 : i32
      %dma_start3A_64 = tpu.memref_slice %arg3[%select_n3A_62, %dma_start3A_63] : memref<2500x128xi32, #tpu.memory_space<hbm>> -> memref<8x128xi32, #tpu.memory_space<hbm>>
      tpu.enqueue_dma source(%dma_start3A_64 : memref<8x128xi32, #tpu.memory_space<hbm>>) target(%arg8 : memref<8x128xi32, #tpu.memory_space<vmem>>) target_semaphore(%arg12 : memref<!tpu.dma_semaphore, #tpu.memory_space<semaphore_mem>>)
    } else {
    }
    %while3A = arith.constant 0 : i32
    %while3A_30:2 = scf.while (%while3A_37 = %mul3A_25, %while3A_38 = %while3A) : (i32, i32) -> (i32, i32) {
      %lt3A_39 = arith.cmpi slt, %while3A_37, %get3A_5 : i32
      scf.condition(%lt3A_39) %while3A_37, %while3A_38 : i32, i32
    } do {
    ^bb0(%while3A_37: i32, %while3A_38: i32):
      %min3A = arith.constant 318976 : i32
      %min3A_39 = arith.minsi %while3A_37, %min3A : i32
      %add3A_40 = arith.constant 1024 : i32
      %add3A_41 = arith.addi %min3A_39, %add3A_40 : i32
      %jit3A_42 = arith.constant 2 : i32
      %eq3A = arith.constant 0 : i32
      %eq3A_43 = arith.cmpi eq, %jit3A_42, %eq3A : i32
      %jit3A_44 = arith.constant 1 : i32
      %select_n3A_45 = arith.select %eq3A_43, %jit3A_44, %jit3A_42 : i32
      %rem3A_46 = arith.remsi %while3A_38, %select_n3A_45 : i32
      %ne3A_47 = arith.constant 0 : i32
      %ne3A_48 = arith.cmpi ne, %rem3A_46, %ne3A_47 : i32
      %lt3A_49 = arith.constant 0 : i32
      %lt3A_50 = arith.cmpi slt, %rem3A_46, %lt3A_49 : i32
      %lt3A_51 = arith.constant 0 : i32
      %lt3A_52 = arith.cmpi slt, %select_n3A_45, %lt3A_51 : i32
      %ne3A_53 = arith.xori %lt3A_50, %lt3A_52 : i1
      %and3A_54 = arith.andi %ne3A_53, %ne3A_48 : i1
      %add3A_55 = arith.addi %rem3A_46, %select_n3A_45 : i32
      %select_n3A_56 = arith.select %and3A_54, %add3A_55, %rem3A_46 : i32
      %eq3A_57 = arith.constant 0 : i32
      %eq3A_58 = arith.cmpi eq, %select_n3A_56, %eq3A_57 : i32
      %convert_element_type3A_59 = arith.extui %eq3A_58 : i1 to i32
      %cond3A_60 = arith.constant 0 : i32
      %cond3A_61 = arith.cmpi ne, %convert_element_type3A_59, %cond3A_60 : i32
      scf.if %cond3A_61 {
        %dma_wait3A = arith.constant 0 : i32
        %dma_wait3A_85 = tpu.memref_slice %arg2[%min3A_39, %dma_wait3A] : memref<320000x128xf32, #tpu.memory_space<hbm>> -> memref<1024x128xf32, #tpu.memory_space<hbm>>
        tpu.wait_dma2 semaphore(%arg10 : memref<!tpu.dma_semaphore, #tpu.memory_space<semaphore_mem>>) src(%dma_wait3A_85 : memref<1024x128xf32, #tpu.memory_space<hbm>>) dst(%arg6 : memref<1024x128xf32, #tpu.memory_space<vmem>>)
        %jit3A_86 = arith.constant 128 : i32
        %div3A_87 = arith.divsi %min3A_39, %jit3A_86 : i32
        %sign3A_88 = arith.constant 0 : i32
        %sign3A_89 = arith.cmpi sgt, %min3A_39, %sign3A_88 : i32
        %sign3A_90 = arith.extui %sign3A_89 : i1 to i32
        %sign3A_91 = arith.constant 0 : i32
        %sign3A_92 = arith.cmpi slt, %min3A_39, %sign3A_91 : i32
        %sign3A_93 = arith.extui %sign3A_92 : i1 to i32
        %sign3A_94 = arith.subi %sign3A_90, %sign3A_93 : i32
        %sign3A_95 = arith.constant 0 : i32
        %sign3A_96 = arith.cmpi sgt, %jit3A_86, %sign3A_95 : i32
        %sign3A_97 = arith.extui %sign3A_96 : i1 to i32
        %sign3A_98 = arith.constant 0 : i32
        %sign3A_99 = arith.cmpi slt, %jit3A_86, %sign3A_98 : i32
        %sign3A_100 = arith.extui %sign3A_99 : i1 to i32
        %sign3A_101 = arith.subi %sign3A_97, %sign3A_100 : i32
        %ne3A_102 = arith.cmpi ne, %sign3A_94, %sign3A_101 : i32
        %rem3A_103 = arith.remsi %min3A_39, %jit3A_86 : i32
        %ne3A_104 = arith.constant 0 : i32
        %ne3A_105 = arith.cmpi ne, %rem3A_103, %ne3A_104 : i32
        %and3A_106 = arith.andi %ne3A_102, %ne3A_105 : i1
        %sub3A_107 = arith.constant 1 : i32
        %sub3A_108 = arith.subi %div3A_87, %sub3A_107 : i32
        %select_n3A_109 = arith.select %and3A_106, %sub3A_108, %div3A_87 : i32
        %dma_wait3A_110 = arith.constant 0 : i32
        %dma_wait3A_111 = tpu.memref_slice %arg3[%select_n3A_109, %dma_wait3A_110] : memref<2500x128xi32, #tpu.memory_space<hbm>> -> memref<8x128xi32, #tpu.memory_space<hbm>>
        tpu.wait_dma2 semaphore(%arg12 : memref<!tpu.dma_semaphore, #tpu.memory_space<semaphore_mem>>) src(%dma_wait3A_111 : memref<8x128xi32, #tpu.memory_space<hbm>>) dst(%arg8 : memref<8x128xi32, #tpu.memory_space<vmem>>)
        %lt3A_112 = arith.cmpi slt, %add3A_41, %get3A_5 : i32
        %convert_element_type3A_113 = arith.extui %lt3A_112 : i1 to i32
        %cond3A_114 = arith.constant 0 : i32
        %cond3A_115 = arith.cmpi ne, %convert_element_type3A_113, %cond3A_114 : i32
        scf.if %cond3A_115 {
          %min3A_361 = arith.constant 318976 : i32
          %min3A_362 = arith.minsi %add3A_41, %min3A_361 : i32
          %dma_start3A = arith.constant 0 : i32
          %dma_start3A_363 = tpu.memref_slice %arg2[%min3A_362, %dma_start3A] : memref<320000x128xf32, #tpu.memory_space<hbm>> -> memref<1024x128xf32, #tpu.memory_space<hbm>>
          tpu.enqueue_dma source(%dma_start3A_363 : memref<1024x128xf32, #tpu.memory_space<hbm>>) target(%arg7 : memref<1024x128xf32, #tpu.memory_space<vmem>>) target_semaphore(%arg11 : memref<!tpu.dma_semaphore, #tpu.memory_space<semaphore_mem>>)
          %jit3A_364 = arith.constant 128 : i32
          %div3A_365 = arith.divsi %min3A_362, %jit3A_364 : i32
          %sign3A_366 = arith.constant 0 : i32
          %sign3A_367 = arith.cmpi sgt, %min3A_362, %sign3A_366 : i32
          %sign3A_368 = arith.extui %sign3A_367 : i1 to i32
          %sign3A_369 = arith.constant 0 : i32
          %sign3A_370 = arith.cmpi slt, %min3A_362, %sign3A_369 : i32
          %sign3A_371 = arith.extui %sign3A_370 : i1 to i32
          %sign3A_372 = arith.subi %sign3A_368, %sign3A_371 : i32
          %sign3A_373 = arith.constant 0 : i32
          %sign3A_374 = arith.cmpi sgt, %jit3A_364, %sign3A_373 : i32
          %sign3A_375 = arith.extui %sign3A_374 : i1 to i32
          %sign3A_376 = arith.constant 0 : i32
          %sign3A_377 = arith.cmpi slt, %jit3A_364, %sign3A_376 : i32
          %sign3A_378 = arith.extui %sign3A_377 : i1 to i32
          %sign3A_379 = arith.subi %sign3A_375, %sign3A_378 : i32
          %ne3A_380 = arith.cmpi ne, %sign3A_372, %sign3A_379 : i32
          %rem3A_381 = arith.remsi %min3A_362, %jit3A_364 : i32
          %ne3A_382 = arith.constant 0 : i32
          %ne3A_383 = arith.cmpi ne, %rem3A_381, %ne3A_382 : i32
          %and3A_384 = arith.andi %ne3A_380, %ne3A_383 : i1
          %sub3A_385 = arith.constant 1 : i32
          %sub3A_386 = arith.subi %div3A_365, %sub3A_385 : i32
          %select_n3A_387 = arith.select %and3A_384, %sub3A_386, %div3A_365 : i32
          %dma_start3A_388 = arith.constant 0 : i32
          %dma_start3A_389 = tpu.memref_slice %arg3[%select_n3A_387, %dma_start3A_388] : memref<2500x128xi32, #tpu.memory_space<hbm>> -> memref<8x128xi32, #tpu.memory_space<hbm>>
          tpu.enqueue_dma source(%dma_start3A_389 : memref<8x128xi32, #tpu.memory_space<hbm>>) target(%arg9 : memref<8x128xi32, #tpu.memory_space<vmem>>) target_semaphore(%arg13 : memref<!tpu.dma_semaphore, #tpu.memory_space<semaphore_mem>>)
        } else {
        }
        %get3A_116 = arith.constant 0 : index
        %get3A_117 = arith.constant 0 : index
        %get3A_118 = vector.load %arg8[%get3A_116, %get3A_117] : memref<8x128xi32, #tpu.memory_space<vmem>>, vector<1x128xi32>
        %get3A_119 = vector.shape_cast %get3A_118 : vector<1x128xi32> to vector<128xi32>
        %reshape3A = vector.shape_cast %get3A_119 : vector<128xi32> to vector<1x128xi32>
        %add3A_120 = arith.constant 0 : i32
        %add3A_121 = arith.addi %min3A_39, %add3A_120 : i32
        %add3A_122 = vector.broadcast %add3A_121 : i32 to vector<1x128xi32>
        %add3A_123 = arith.addi %iota3A_7, %add3A_122 : vector<1x128xi32>
        %sub3A_124 = vector.broadcast %mul3A_6 : i32 to vector<1x128xi32>
        %sub3A_125 = arith.subi %reshape3A, %sub3A_124 : vector<1x128xi32>
        %eq3A_126 = vector.broadcast %sub3A_125 : vector<1x128xi32> to vector<400x128xi32>
        %eq3A_127 = arith.cmpi eq, %eq3A_126, %iota3A : vector<400x128xi32>
        %ge3A = vector.broadcast %while3A_37 : i32 to vector<1x128xi32>
        %ge3A_128 = arith.cmpi sge, %add3A_123, %ge3A : vector<1x128xi32>
        %and3A_129 = vector.broadcast %ge3A_128 : vector<1x128xi1> to vector<400x128xi1>
        %and3A_130 = arith.andi %eq3A_127, %and3A_129 : vector<400x128xi1>
        %convert_element_type3A_131 = arith.extui %and3A_130 : vector<400x128xi1> to vector<400x128xi32>
        %convert_element_type3A_132 = arith.sitofp %convert_element_type3A_131 : vector<400x128xi32> to vector<400x128xf32>
        %get3A_133 = arith.constant 0 : index
        %get3A_134 = arith.constant 0 : index
        %get3A_135 = vector.load %arg5[%get3A_133, %get3A_134] : memref<400x128xf32, #tpu.memory_space<vmem>>, vector<400x128xf32>
        %get3A_136 = arith.constant 0 : index
        %get3A_137 = arith.constant 0 : index
        %get3A_138 = vector.load %arg6[%get3A_136, %get3A_137] : memref<1024x128xf32, #tpu.memory_space<vmem>>, vector<128x128xf32>
        %dot_general3A = arith.constant dense<0.000000e+00> : vector<400x128xf32>
        %dot_general3A_139 = tpu.matmul %convert_element_type3A_132, %get3A_138, %dot_general3A {dimension_numbers = #tpu.dot_dimension_numbers<[1], [0], [0], [1], [0, 0, 1, 1], [], []>, transpose_lhs_hint = false} : vector<400x128xf32>, vector<128x128xf32>, vector<400x128xf32> -> vector<400x128xf32>
        %add3A_140 = arith.addf %get3A_135, %dot_general3A_139 : vector<400x128xf32>
        %swap3A_141 = arith.constant 0 : index
        %swap3A_142 = arith.constant 0 : index
        %swap3A_143 = vector.load %arg5[%swap3A_141, %swap3A_142] : memref<400x128xf32, #tpu.memory_space<vmem>>, vector<400x128xf32>
        tpu.vector_store %arg5[%swap3A_141, %swap3A_142], %add3A_140 {strides = array<i32>} : memref<400x128xf32, #tpu.memory_space<vmem>>, vector<400x128xf32>,
        %get3A_144 = arith.constant 1 : index
        %get3A_145 = arith.constant 0 : index
        %get3A_146 = vector.load %arg8[%get3A_144, %get3A_145] : memref<8x128xi32, #tpu.memory_space<vmem>>, vector<1x128xi32>
        %get3A_147 = vector.shape_cast %get3A_146 : vector<1x128xi32> to vector<128xi32>
        %reshape3A_148 = vector.shape_cast %get3A_147 : vector<128xi32> to vector<1x128xi32>
        %add3A_149 = arith.constant 128 : i32
        %add3A_150 = arith.addi %min3A_39, %add3A_149 : i32
        %add3A_151 = vector.broadcast %add3A_150 : i32 to vector<1x128xi32>
        %add3A_152 = arith.addi %iota3A_7, %add3A_151 : vector<1x128xi32>
        %sub3A_153 = vector.broadcast %mul3A_6 : i32 to vector<1x128xi32>
        %sub3A_154 = arith.subi %reshape3A_148, %sub3A_153 : vector<1x128xi32>
        %eq3A_155 = vector.broadcast %sub3A_154 : vector<1x128xi32> to vector<400x128xi32>
        %eq3A_156 = arith.cmpi eq, %eq3A_155, %iota3A : vector<400x128xi32>
        %ge3A_157 = vector.broadcast %while3A_37 : i32 to vector<1x128xi32>
        %ge3A_158 = arith.cmpi sge, %add3A_152, %ge3A_157 : vector<1x128xi32>
        %and3A_159 = vector.broadcast %ge3A_158 : vector<1x128xi1> to vector<400x128xi1>
        %and3A_160 = arith.andi %eq3A_156, %and3A_159 : vector<400x128xi1>
        %convert_element_type3A_161 = arith.extui %and3A_160 : vector<400x128xi1> to vector<400x128xi32>
        %convert_element_type3A_162 = arith.sitofp %convert_element_type3A_161 : vector<400x128xi32> to vector<400x128xf32>
        %get3A_163 = arith.constant 0 : index
        %get3A_164 = arith.constant 0 : index
        %get3A_165 = vector.load %arg5[%get3A_163, %get3A_164] : memref<400x128xf32, #tpu.memory_space<vmem>>, vector<400x128xf32>
        %get3A_166 = arith.constant 128 : index
        %get3A_167 = arith.constant 0 : index
        %get3A_168 = vector.load %arg6[%get3A_166, %get3A_167] : memref<1024x128xf32, #tpu.memory_space<vmem>>, vector<128x128xf32>
        %dot_general3A_169 = arith.constant dense<0.000000e+00> : vector<400x128xf32>
        %dot_general3A_170 = tpu.matmul %convert_element_type3A_162, %get3A_168, %dot_general3A_169 {dimension_numbers = #tpu.dot_dimension_numbers<[1], [0], [0], [1], [0, 0, 1, 1], [], []>, transpose_lhs_hint = false} : vector<400x128xf32>, vector<128x128xf32>, vector<400x128xf32> -> vector<400x128xf32>
        %add3A_171 = arith.addf %get3A_165, %dot_general3A_170 : vector<400x128xf32>
        %swap3A_172 = arith.constant 0 : index
        %swap3A_173 = arith.constant 0 : index
        %swap3A_174 = vector.load %arg5[%swap3A_172, %swap3A_173] : memref<400x128xf32, #tpu.memory_space<vmem>>, vector<400x128xf32>
        tpu.vector_store %arg5[%swap3A_172, %swap3A_173], %add3A_171 {strides = array<i32>} : memref<400x128xf32, #tpu.memory_space<vmem>>, vector<400x128xf32>,
        %get3A_175 = arith.constant 2 : index
        %get3A_176 = arith.constant 0 : index
        %get3A_177 = vector.load %arg8[%get3A_175, %get3A_176] : memref<8x128xi32, #tpu.memory_space<vmem>>, vector<1x128xi32>
        %get3A_178 = vector.shape_cast %get3A_177 : vector<1x128xi32> to vector<128xi32>
        %reshape3A_179 = vector.shape_cast %get3A_178 : vector<128xi32> to vector<1x128xi32>
        %add3A_180 = arith.constant 256 : i32
        %add3A_181 = arith.addi %min3A_39, %add3A_180 : i32
        %add3A_182 = vector.broadcast %add3A_181 : i32 to vector<1x128xi32>
        %add3A_183 = arith.addi %iota3A_7, %add3A_182 : vector<1x128xi32>
        %sub3A_184 = vector.broadcast %mul3A_6 : i32 to vector<1x128xi32>
        %sub3A_185 = arith.subi %reshape3A_179, %sub3A_184 : vector<1x128xi32>
        %eq3A_186 = vector.broadcast %sub3A_185 : vector<1x128xi32> to vector<400x128xi32>
        %eq3A_187 = arith.cmpi eq, %eq3A_186, %iota3A : vector<400x128xi32>
        %ge3A_188 = vector.broadcast %while3A_37 : i32 to vector<1x128xi32>
        %ge3A_189 = arith.cmpi sge, %add3A_183, %ge3A_188 : vector<1x128xi32>
        %and3A_190 = vector.broadcast %ge3A_189 : vector<1x128xi1> to vector<400x128xi1>
        %and3A_191 = arith.andi %eq3A_187, %and3A_190 : vector<400x128xi1>
        %convert_element_type3A_192 = arith.extui %and3A_191 : vector<400x128xi1> to vector<400x128xi32>
        %convert_element_type3A_193 = arith.sitofp %convert_element_type3A_192 : vector<400x128xi32> to vector<400x128xf32>
        %get3A_194 = arith.constant 0 : index
        %get3A_195 = arith.constant 0 : index
        %get3A_196 = vector.load %arg5[%get3A_194, %get3A_195] : memref<400x128xf32, #tpu.memory_space<vmem>>, vector<400x128xf32>
        %get3A_197 = arith.constant 256 : index
        %get3A_198 = arith.constant 0 : index
        %get3A_199 = vector.load %arg6[%get3A_197, %get3A_198] : memref<1024x128xf32, #tpu.memory_space<vmem>>, vector<128x128xf32>
        %dot_general3A_200 = arith.constant dense<0.000000e+00> : vector<400x128xf32>
        %dot_general3A_201 = tpu.matmul %convert_element_type3A_193, %get3A_199, %dot_general3A_200 {dimension_numbers = #tpu.dot_dimension_numbers<[1], [0], [0], [1], [0, 0, 1, 1], [], []>, transpose_lhs_hint = false} : vector<400x128xf32>, vector<128x128xf32>, vector<400x128xf32> -> vector<400x128xf32>
        %add3A_202 = arith.addf %get3A_196, %dot_general3A_201 : vector<400x128xf32>
        %swap3A_203 = arith.constant 0 : index
        %swap3A_204 = arith.constant 0 : index
        %swap3A_205 = vector.load %arg5[%swap3A_203, %swap3A_204] : memref<400x128xf32, #tpu.memory_space<vmem>>, vector<400x128xf32>
        tpu.vector_store %arg5[%swap3A_203, %swap3A_204], %add3A_202 {strides = array<i32>} : memref<400x128xf32, #tpu.memory_space<vmem>>, vector<400x128xf32>,
        %get3A_206 = arith.constant 3 : index
        %get3A_207 = arith.constant 0 : index
        %get3A_208 = vector.load %arg8[%get3A_206, %get3A_207] : memref<8x128xi32, #tpu.memory_space<vmem>>, vector<1x128xi32>
        %get3A_209 = vector.shape_cast %get3A_208 : vector<1x128xi32> to vector<128xi32>
        %reshape3A_210 = vector.shape_cast %get3A_209 : vector<128xi32> to vector<1x128xi32>
        %add3A_211 = arith.constant 384 : i32
        %add3A_212 = arith.addi %min3A_39, %add3A_211 : i32
        %add3A_213 = vector.broadcast %add3A_212 : i32 to vector<1x128xi32>
        %add3A_214 = arith.addi %iota3A_7, %add3A_213 : vector<1x128xi32>
        %sub3A_215 = vector.broadcast %mul3A_6 : i32 to vector<1x128xi32>
        %sub3A_216 = arith.subi %reshape3A_210, %sub3A_215 : vector<1x128xi32>
        %eq3A_217 = vector.broadcast %sub3A_216 : vector<1x128xi32> to vector<400x128xi32>
        %eq3A_218 = arith.cmpi eq, %eq3A_217, %iota3A : vector<400x128xi32>
        %ge3A_219 = vector.broadcast %while3A_37 : i32 to vector<1x128xi32>
        %ge3A_220 = arith.cmpi sge, %add3A_214, %ge3A_219 : vector<1x128xi32>
        %and3A_221 = vector.broadcast %ge3A_220 : vector<1x128xi1> to vector<400x128xi1>
        %and3A_222 = arith.andi %eq3A_218, %and3A_221 : vector<400x128xi1>
        %convert_element_type3A_223 = arith.extui %and3A_222 : vector<400x128xi1> to vector<400x128xi32>
        %convert_element_type3A_224 = arith.sitofp %convert_element_type3A_223 : vector<400x128xi32> to vector<400x128xf32>
        %get3A_225 = arith.constant 0 : index
        %get3A_226 = arith.constant 0 : index
        %get3A_227 = vector.load %arg5[%get3A_225, %get3A_226] : memref<400x128xf32, #tpu.memory_space<vmem>>, vector<400x128xf32>
        %get3A_228 = arith.constant 384 : index
        %get3A_229 = arith.constant 0 : index
        %get3A_230 = vector.load %arg6[%get3A_228, %get3A_229] : memref<1024x128xf32, #tpu.memory_space<vmem>>, vector<128x128xf32>
        %dot_general3A_231 = arith.constant dense<0.000000e+00> : vector<400x128xf32>
        %dot_general3A_232 = tpu.matmul %convert_element_type3A_224, %get3A_230, %dot_general3A_231 {dimension_numbers = #tpu.dot_dimension_numbers<[1], [0], [0], [1], [0, 0, 1, 1], [], []>, transpose_lhs_hint = false} : vector<400x128xf32>, vector<128x128xf32>, vector<400x128xf32> -> vector<400x128xf32>
        %add3A_233 = arith.addf %get3A_227, %dot_general3A_232 : vector<400x128xf32>
        %swap3A_234 = arith.constant 0 : index
        %swap3A_235 = arith.constant 0 : index
        %swap3A_236 = vector.load %arg5[%swap3A_234, %swap3A_235] : memref<400x128xf32, #tpu.memory_space<vmem>>, vector<400x128xf32>
        tpu.vector_store %arg5[%swap3A_234, %swap3A_235], %add3A_233 {strides = array<i32>} : memref<400x128xf32, #tpu.memory_space<vmem>>, vector<400x128xf32>,
        %get3A_237 = arith.constant 4 : index
        %get3A_238 = arith.constant 0 : index
        %get3A_239 = vector.load %arg8[%get3A_237, %get3A_238] : memref<8x128xi32, #tpu.memory_space<vmem>>, vector<1x128xi32>
        %get3A_240 = vector.shape_cast %get3A_239 : vector<1x128xi32> to vector<128xi32>
        %reshape3A_241 = vector.shape_cast %get3A_240 : vector<128xi32> to vector<1x128xi32>
        %add3A_242 = arith.constant 512 : i32
        %add3A_243 = arith.addi %min3A_39, %add3A_242 : i32
        %add3A_244 = vector.broadcast %add3A_243 : i32 to vector<1x128xi32>
        %add3A_245 = arith.addi %iota3A_7, %add3A_244 : vector<1x128xi32>
        %sub3A_246 = vector.broadcast %mul3A_6 : i32 to vector<1x128xi32>
        %sub3A_247 = arith.subi %reshape3A_241, %sub3A_246 : vector<1x128xi32>
        %eq3A_248 = vector.broadcast %sub3A_247 : vector<1x128xi32> to vector<400x128xi32>
        %eq3A_249 = arith.cmpi eq, %eq3A_248, %iota3A : vector<400x128xi32>
        %ge3A_250 = vector.broadcast %while3A_37 : i32 to vector<1x128xi32>
        %ge3A_251 = arith.cmpi sge, %add3A_245, %ge3A_250 : vector<1x128xi32>
        %and3A_252 = vector.broadcast %ge3A_251 : vector<1x128xi1> to vector<400x128xi1>
        %and3A_253 = arith.andi %eq3A_249, %and3A_252 : vector<400x128xi1>
        %convert_element_type3A_254 = arith.extui %and3A_253 : vector<400x128xi1> to vector<400x128xi32>
        %convert_element_type3A_255 = arith.sitofp %convert_element_type3A_254 : vector<400x128xi32> to vector<400x128xf32>
        %get3A_256 = arith.constant 0 : index
        %get3A_257 = arith.constant 0 : index
        %get3A_258 = vector.load %arg5[%get3A_256, %get3A_257] : memref<400x128xf32, #tpu.memory_space<vmem>>, vector<400x128xf32>
        %get3A_259 = arith.constant 512 : index
        %get3A_260 = arith.constant 0 : index
        %get3A_261 = vector.load %arg6[%get3A_259, %get3A_260] : memref<1024x128xf32, #tpu.memory_space<vmem>>, vector<128x128xf32>
        %dot_general3A_262 = arith.constant dense<0.000000e+00> : vector<400x128xf32>
        %dot_general3A_263 = tpu.matmul %convert_element_type3A_255, %get3A_261, %dot_general3A_262 {dimension_numbers = #tpu.dot_dimension_numbers<[1], [0], [0], [1], [0, 0, 1, 1], [], []>, transpose_lhs_hint = false} : vector<400x128xf32>, vector<128x128xf32>, vector<400x128xf32> -> vector<400x128xf32>
        %add3A_264 = arith.addf %get3A_258, %dot_general3A_263 : vector<400x128xf32>
        %swap3A_265 = arith.constant 0 : index
        %swap3A_266 = arith.constant 0 : index
        %swap3A_267 = vector.load %arg5[%swap3A_265, %swap3A_266] : memref<400x128xf32, #tpu.memory_space<vmem>>, vector<400x128xf32>
        tpu.vector_store %arg5[%swap3A_265, %swap3A_266], %add3A_264 {strides = array<i32>} : memref<400x128xf32, #tpu.memory_space<vmem>>, vector<400x128xf32>,
        %get3A_268 = arith.constant 5 : index
        %get3A_269 = arith.constant 0 : index
        %get3A_270 = vector.load %arg8[%get3A_268, %get3A_269] : memref<8x128xi32, #tpu.memory_space<vmem>>, vector<1x128xi32>
        %get3A_271 = vector.shape_cast %get3A_270 : vector<1x128xi32> to vector<128xi32>
        %reshape3A_272 = vector.shape_cast %get3A_271 : vector<128xi32> to vector<1x128xi32>
        %add3A_273 = arith.constant 640 : i32
        %add3A_274 = arith.addi %min3A_39, %add3A_273 : i32
        %add3A_275 = vector.broadcast %add3A_274 : i32 to vector<1x128xi32>
        %add3A_276 = arith.addi %iota3A_7, %add3A_275 : vector<1x128xi32>
        %sub3A_277 = vector.broadcast %mul3A_6 : i32 to vector<1x128xi32>
        %sub3A_278 = arith.subi %reshape3A_272, %sub3A_277 : vector<1x128xi32>
        %eq3A_279 = vector.broadcast %sub3A_278 : vector<1x128xi32> to vector<400x128xi32>
        %eq3A_280 = arith.cmpi eq, %eq3A_279, %iota3A : vector<400x128xi32>
        %ge3A_281 = vector.broadcast %while3A_37 : i32 to vector<1x128xi32>
        %ge3A_282 = arith.cmpi sge, %add3A_276, %ge3A_281 : vector<1x128xi32>
        %and3A_283 = vector.broadcast %ge3A_282 : vector<1x128xi1> to vector<400x128xi1>
        %and3A_284 = arith.andi %eq3A_280, %and3A_283 : vector<400x128xi1>
        %convert_element_type3A_285 = arith.extui %and3A_284 : vector<400x128xi1> to vector<400x128xi32>
        %convert_element_type3A_286 = arith.sitofp %convert_element_type3A_285 : vector<400x128xi32> to vector<400x128xf32>
        %get3A_287 = arith.constant 0 : index
        %get3A_288 = arith.constant 0 : index
        %get3A_289 = vector.load %arg5[%get3A_287, %get3A_288] : memref<400x128xf32, #tpu.memory_space<vmem>>, vector<400x128xf32>
        %get3A_290 = arith.constant 640 : index
        %get3A_291 = arith.constant 0 : index
        %get3A_292 = vector.load %arg6[%get3A_290, %get3A_291] : memref<1024x128xf32, #tpu.memory_space<vmem>>, vector<128x128xf32>
        %dot_general3A_293 = arith.constant dense<0.000000e+00> : vector<400x128xf32>
        %dot_general3A_294 = tpu.matmul %convert_element_type3A_286, %get3A_292, %dot_general3A_293 {dimension_numbers = #tpu.dot_dimension_numbers<[1], [0], [0], [1], [0, 0, 1, 1], [], []>, transpose_lhs_hint = false} : vector<400x128xf32>, vector<128x128xf32>, vector<400x128xf32> -> vector<400x128xf32>
        %add3A_295 = arith.addf %get3A_289, %dot_general3A_294 : vector<400x128xf32>
        %swap3A_296 = arith.constant 0 : index
        %swap3A_297 = arith.constant 0 : index
        %swap3A_298 = vector.load %arg5[%swap3A_296, %swap3A_297] : memref<400x128xf32, #tpu.memory_space<vmem>>, vector<400x128xf32>
        tpu.vector_store %arg5[%swap3A_296, %swap3A_297], %add3A_295 {strides = array<i32>} : memref<400x128xf32, #tpu.memory_space<vmem>>, vector<400x128xf32>,
        %get3A_299 = arith.constant 6 : index
        %get3A_300 = arith.constant 0 : index
        %get3A_301 = vector.load %arg8[%get3A_299, %get3A_300] : memref<8x128xi32, #tpu.memory_space<vmem>>, vector<1x128xi32>
        %get3A_302 = vector.shape_cast %get3A_301 : vector<1x128xi32> to vector<128xi32>
        %reshape3A_303 = vector.shape_cast %get3A_302 : vector<128xi32> to vector<1x128xi32>
        %add3A_304 = arith.constant 768 : i32
        %add3A_305 = arith.addi %min3A_39, %add3A_304 : i32
        %add3A_306 = vector.broadcast %add3A_305 : i32 to vector<1x128xi32>
        %add3A_307 = arith.addi %iota3A_7, %add3A_306 : vector<1x128xi32>
        %sub3A_308 = vector.broadcast %mul3A_6 : i32 to vector<1x128xi32>
        %sub3A_309 = arith.subi %reshape3A_303, %sub3A_308 : vector<1x128xi32>
        %eq3A_310 = vector.broadcast %sub3A_309 : vector<1x128xi32> to vector<400x128xi32>
        %eq3A_311 = arith.cmpi eq, %eq3A_310, %iota3A : vector<400x128xi32>
        %ge3A_312 = vector.broadcast %while3A_37 : i32 to vector<1x128xi32>
        %ge3A_313 = arith.cmpi sge, %add3A_307, %ge3A_312 : vector<1x128xi32>
        %and3A_314 = vector.broadcast %ge3A_313 : vector<1x128xi1> to vector<400x128xi1>
        %and3A_315 = arith.andi %eq3A_311, %and3A_314 : vector<400x128xi1>
        %convert_element_type3A_316 = arith.extui %and3A_315 : vector<400x128xi1> to vector<400x128xi32>
        %convert_element_type3A_317 = arith.sitofp %convert_element_type3A_316 : vector<400x128xi32> to vector<400x128xf32>
        %get3A_318 = arith.constant 0 : index
        %get3A_319 = arith.constant 0 : index
        %get3A_320 = vector.load %arg5[%get3A_318, %get3A_319] : memref<400x128xf32, #tpu.memory_space<vmem>>, vector<400x128xf32>
        %get3A_321 = arith.constant 768 : index
        %get3A_322 = arith.constant 0 : index
        %get3A_323 = vector.load %arg6[%get3A_321, %get3A_322] : memref<1024x128xf32, #tpu.memory_space<vmem>>, vector<128x128xf32>
        %dot_general3A_324 = arith.constant dense<0.000000e+00> : vector<400x128xf32>
        %dot_general3A_325 = tpu.matmul %convert_element_type3A_317, %get3A_323, %dot_general3A_324 {dimension_numbers = #tpu.dot_dimension_numbers<[1], [0], [0], [1], [0, 0, 1, 1], [], []>, transpose_lhs_hint = false} : vector<400x128xf32>, vector<128x128xf32>, vector<400x128xf32> -> vector<400x128xf32>
        %add3A_326 = arith.addf %get3A_320, %dot_general3A_325 : vector<400x128xf32>
        %swap3A_327 = arith.constant 0 : index
        %swap3A_328 = arith.constant 0 : index
        %swap3A_329 = vector.load %arg5[%swap3A_327, %swap3A_328] : memref<400x128xf32, #tpu.memory_space<vmem>>, vector<400x128xf32>
        tpu.vector_store %arg5[%swap3A_327, %swap3A_328], %add3A_326 {strides = array<i32>} : memref<400x128xf32, #tpu.memory_space<vmem>>, vector<400x128xf32>,
        %get3A_330 = arith.constant 7 : index
        %get3A_331 = arith.constant 0 : index
        %get3A_332 = vector.load %arg8[%get3A_330, %get3A_331] : memref<8x128xi32, #tpu.memory_space<vmem>>, vector<1x128xi32>
        %get3A_333 = vector.shape_cast %get3A_332 : vector<1x128xi32> to vector<128xi32>
        %reshape3A_334 = vector.shape_cast %get3A_333 : vector<128xi32> to vector<1x128xi32>
        %add3A_335 = arith.constant 896 : i32
        %add3A_336 = arith.addi %min3A_39, %add3A_335 : i32
        %add3A_337 = vector.broadcast %add3A_336 : i32 to vector<1x128xi32>
        %add3A_338 = arith.addi %iota3A_7, %add3A_337 : vector<1x128xi32>
        %sub3A_339 = vector.broadcast %mul3A_6 : i32 to vector<1x128xi32>
        %sub3A_340 = arith.subi %reshape3A_334, %sub3A_339 : vector<1x128xi32>
        %eq3A_341 = vector.broadcast %sub3A_340 : vector<1x128xi32> to vector<400x128xi32>
        %eq3A_342 = arith.cmpi eq, %eq3A_341, %iota3A : vector<400x128xi32>
        %ge3A_343 = vector.broadcast %while3A_37 : i32 to vector<1x128xi32>
        %ge3A_344 = arith.cmpi sge, %add3A_338, %ge3A_343 : vector<1x128xi32>
        %and3A_345 = vector.broadcast %ge3A_344 : vector<1x128xi1> to vector<400x128xi1>
        %and3A_346 = arith.andi %eq3A_342, %and3A_345 : vector<400x128xi1>
        %convert_element_type3A_347 = arith.extui %and3A_346 : vector<400x128xi1> to vector<400x128xi32>
        %convert_element_type3A_348 = arith.sitofp %convert_element_type3A_347 : vector<400x128xi32> to vector<400x128xf32>
        %get3A_349 = arith.constant 0 : index
        %get3A_350 = arith.constant 0 : index
        %get3A_351 = vector.load %arg5[%get3A_349, %get3A_350] : memref<400x128xf32, #tpu.memory_space<vmem>>, vector<400x128xf32>
        %get3A_352 = arith.constant 896 : index
        %get3A_353 = arith.constant 0 : index
        %get3A_354 = vector.load %arg6[%get3A_352, %get3A_353] : memref<1024x128xf32, #tpu.memory_space<vmem>>, vector<128x128xf32>
        %dot_general3A_355 = arith.constant dense<0.000000e+00> : vector<400x128xf32>
        %dot_general3A_356 = tpu.matmul %convert_element_type3A_348, %get3A_354, %dot_general3A_355 {dimension_numbers = #tpu.dot_dimension_numbers<[1], [0], [0], [1], [0, 0, 1, 1], [], []>, transpose_lhs_hint = false} : vector<400x128xf32>, vector<128x128xf32>, vector<400x128xf32> -> vector<400x128xf32>
        %add3A_357 = arith.addf %get3A_351, %dot_general3A_356 : vector<400x128xf32>
        %swap3A_358 = arith.constant 0 : index
        %swap3A_359 = arith.constant 0 : index
        %swap3A_360 = vector.load %arg5[%swap3A_358, %swap3A_359] : memref<400x128xf32, #tpu.memory_space<vmem>>, vector<400x128xf32>
        tpu.vector_store %arg5[%swap3A_358, %swap3A_359], %add3A_357 {strides = array<i32>} : memref<400x128xf32, #tpu.memory_space<vmem>>, vector<400x128xf32>,
      } else {
      }
      %jit3A_62 = arith.constant 2 : i32
      %eq3A_63 = arith.constant 0 : i32
      %eq3A_64 = arith.cmpi eq, %jit3A_62, %eq3A_63 : i32
      %jit3A_65 = arith.constant 1 : i32
      %select_n3A_66 = arith.select %eq3A_64, %jit3A_65, %jit3A_62 : i32
      %rem3A_67 = arith.remsi %while3A_38, %select_n3A_66 : i32
      %ne3A_68 = arith.constant 0 : i32
      %ne3A_69 = arith.cmpi ne, %rem3A_67, %ne3A_68 : i32
      %lt3A_70 = arith.constant 0 : i32
      %lt3A_71 = arith.cmpi slt, %rem3A_67, %lt3A_70 : i32
      %lt3A_72 = arith.constant 0 : i32
      %lt3A_73 = arith.cmpi slt, %select_n3A_66, %lt3A_72 : i32
      %ne3A_74 = arith.xori %lt3A_71, %lt3A_73 : i1
      %and3A_75 = arith.andi %ne3A_74, %ne3A_69 : i1
      %add3A_76 = arith.addi %rem3A_67, %select_n3A_66 : i32
      %select_n3A_77 = arith.select %and3A_75, %add3A_76, %rem3A_67 : i32
      %eq3A_78 = arith.constant 1 : i32
      %eq3A_79 = arith.cmpi eq, %select_n3A_77, %eq3A_78 : i32
      %convert_element_type3A_80 = arith.extui %eq3A_79 : i1 to i32
      %cond3A_81 = arith.constant 0 : i32
      %cond3A_82 = arith.cmpi ne, %convert_element_type3A_80, %cond3A_81 : i32
      scf.if %cond3A_82 {
        %dma_wait3A = arith.constant 0 : i32
        %dma_wait3A_85 = tpu.memref_slice %arg2[%min3A_39, %dma_wait3A] : memref<320000x128xf32, #tpu.memory_space<hbm>> -> memref<1024x128xf32, #tpu.memory_space<hbm>>
        tpu.wait_dma2 semaphore(%arg11 : memref<!tpu.dma_semaphore, #tpu.memory_space<semaphore_mem>>) src(%dma_wait3A_85 : memref<1024x128xf32, #tpu.memory_space<hbm>>) dst(%arg7 : memref<1024x128xf32, #tpu.memory_space<vmem>>)
        %jit3A_86 = arith.constant 128 : i32
        %div3A_87 = arith.divsi %min3A_39, %jit3A_86 : i32
        %sign3A_88 = arith.constant 0 : i32
        %sign3A_89 = arith.cmpi sgt, %min3A_39, %sign3A_88 : i32
        %sign3A_90 = arith.extui %sign3A_89 : i1 to i32
        %sign3A_91 = arith.constant 0 : i32
        %sign3A_92 = arith.cmpi slt, %min3A_39, %sign3A_91 : i32
        %sign3A_93 = arith.extui %sign3A_92 : i1 to i32
        %sign3A_94 = arith.subi %sign3A_90, %sign3A_93 : i32
        %sign3A_95 = arith.constant 0 : i32
        %sign3A_96 = arith.cmpi sgt, %jit3A_86, %sign3A_95 : i32
        %sign3A_97 = arith.extui %sign3A_96 : i1 to i32
        %sign3A_98 = arith.constant 0 : i32
        %sign3A_99 = arith.cmpi slt, %jit3A_86, %sign3A_98 : i32
        %sign3A_100 = arith.extui %sign3A_99 : i1 to i32
        %sign3A_101 = arith.subi %sign3A_97, %sign3A_100 : i32
        %ne3A_102 = arith.cmpi ne, %sign3A_94, %sign3A_101 : i32
        %rem3A_103 = arith.remsi %min3A_39, %jit3A_86 : i32
        %ne3A_104 = arith.constant 0 : i32
        %ne3A_105 = arith.cmpi ne, %rem3A_103, %ne3A_104 : i32
        %and3A_106 = arith.andi %ne3A_102, %ne3A_105 : i1
        %sub3A_107 = arith.constant 1 : i32
        %sub3A_108 = arith.subi %div3A_87, %sub3A_107 : i32
        %select_n3A_109 = arith.select %and3A_106, %sub3A_108, %div3A_87 : i32
        %dma_wait3A_110 = arith.constant 0 : i32
        %dma_wait3A_111 = tpu.memref_slice %arg3[%select_n3A_109, %dma_wait3A_110] : memref<2500x128xi32, #tpu.memory_space<hbm>> -> memref<8x128xi32, #tpu.memory_space<hbm>>
        tpu.wait_dma2 semaphore(%arg13 : memref<!tpu.dma_semaphore, #tpu.memory_space<semaphore_mem>>) src(%dma_wait3A_111 : memref<8x128xi32, #tpu.memory_space<hbm>>) dst(%arg9 : memref<8x128xi32, #tpu.memory_space<vmem>>)
        %lt3A_112 = arith.cmpi slt, %add3A_41, %get3A_5 : i32
        %convert_element_type3A_113 = arith.extui %lt3A_112 : i1 to i32
        %cond3A_114 = arith.constant 0 : i32
        %cond3A_115 = arith.cmpi ne, %convert_element_type3A_113, %cond3A_114 : i32
        scf.if %cond3A_115 {
          %min3A_361 = arith.constant 318976 : i32
          %min3A_362 = arith.minsi %add3A_41, %min3A_361 : i32
          %dma_start3A = arith.constant 0 : i32
          %dma_start3A_363 = tpu.memref_slice %arg2[%min3A_362, %dma_start3A] : memref<320000x128xf32, #tpu.memory_space<hbm>> -> memref<1024x128xf32, #tpu.memory_space<hbm>>
          tpu.enqueue_dma source(%dma_start3A_363 : memref<1024x128xf32, #tpu.memory_space<hbm>>) target(%arg6 : memref<1024x128xf32, #tpu.memory_space<vmem>>) target_semaphore(%arg10 : memref<!tpu.dma_semaphore, #tpu.memory_space<semaphore_mem>>)
          %jit3A_364 = arith.constant 128 : i32
          %div3A_365 = arith.divsi %min3A_362, %jit3A_364 : i32
          %sign3A_366 = arith.constant 0 : i32
          %sign3A_367 = arith.cmpi sgt, %min3A_362, %sign3A_366 : i32
          %sign3A_368 = arith.extui %sign3A_367 : i1 to i32
          %sign3A_369 = arith.constant 0 : i32
          %sign3A_370 = arith.cmpi slt, %min3A_362, %sign3A_369 : i32
          %sign3A_371 = arith.extui %sign3A_370 : i1 to i32
          %sign3A_372 = arith.subi %sign3A_368, %sign3A_371 : i32
          %sign3A_373 = arith.constant 0 : i32
          %sign3A_374 = arith.cmpi sgt, %jit3A_364, %sign3A_373 : i32
          %sign3A_375 = arith.extui %sign3A_374 : i1 to i32
          %sign3A_376 = arith.constant 0 : i32
          %sign3A_377 = arith.cmpi slt, %jit3A_364, %sign3A_376 : i32
          %sign3A_378 = arith.extui %sign3A_377 : i1 to i32
          %sign3A_379 = arith.subi %sign3A_375, %sign3A_378 : i32
          %ne3A_380 = arith.cmpi ne, %sign3A_372, %sign3A_379 : i32
          %rem3A_381 = arith.remsi %min3A_362, %jit3A_364 : i32
          %ne3A_382 = arith.constant 0 : i32
          %ne3A_383 = arith.cmpi ne, %rem3A_381, %ne3A_382 : i32
          %and3A_384 = arith.andi %ne3A_380, %ne3A_383 : i1
          %sub3A_385 = arith.constant 1 : i32
          %sub3A_386 = arith.subi %div3A_365, %sub3A_385 : i32
          %select_n3A_387 = arith.select %and3A_384, %sub3A_386, %div3A_365 : i32
          %dma_start3A_388 = arith.constant 0 : i32
          %dma_start3A_389 = tpu.memref_slice %arg3[%select_n3A_387, %dma_start3A_388] : memref<2500x128xi32, #tpu.memory_space<hbm>> -> memref<8x128xi32, #tpu.memory_space<hbm>>
          tpu.enqueue_dma source(%dma_start3A_389 : memref<8x128xi32, #tpu.memory_space<hbm>>) target(%arg8 : memref<8x128xi32, #tpu.memory_space<vmem>>) target_semaphore(%arg12 : memref<!tpu.dma_semaphore, #tpu.memory_space<semaphore_mem>>)
        } else {
        }
        %get3A_116 = arith.constant 0 : index
        %get3A_117 = arith.constant 0 : index
        %get3A_118 = vector.load %arg9[%get3A_116, %get3A_117] : memref<8x128xi32, #tpu.memory_space<vmem>>, vector<1x128xi32>
        %get3A_119 = vector.shape_cast %get3A_118 : vector<1x128xi32> to vector<128xi32>
        %reshape3A = vector.shape_cast %get3A_119 : vector<128xi32> to vector<1x128xi32>
        %add3A_120 = arith.constant 0 : i32
        %add3A_121 = arith.addi %min3A_39, %add3A_120 : i32
        %add3A_122 = vector.broadcast %add3A_121 : i32 to vector<1x128xi32>
        %add3A_123 = arith.addi %iota3A_7, %add3A_122 : vector<1x128xi32>
        %sub3A_124 = vector.broadcast %mul3A_6 : i32 to vector<1x128xi32>
        %sub3A_125 = arith.subi %reshape3A, %sub3A_124 : vector<1x128xi32>
        %eq3A_126 = vector.broadcast %sub3A_125 : vector<1x128xi32> to vector<400x128xi32>
        %eq3A_127 = arith.cmpi eq, %eq3A_126, %iota3A : vector<400x128xi32>
        %ge3A = vector.broadcast %while3A_37 : i32 to vector<1x128xi32>
        %ge3A_128 = arith.cmpi sge, %add3A_123, %ge3A : vector<1x128xi32>
        %and3A_129 = vector.broadcast %ge3A_128 : vector<1x128xi1> to vector<400x128xi1>
        %and3A_130 = arith.andi %eq3A_127, %and3A_129 : vector<400x128xi1>
        %convert_element_type3A_131 = arith.extui %and3A_130 : vector<400x128xi1> to vector<400x128xi32>
        %convert_element_type3A_132 = arith.sitofp %convert_element_type3A_131 : vector<400x128xi32> to vector<400x128xf32>
        %get3A_133 = arith.constant 0 : index
        %get3A_134 = arith.constant 0 : index
        %get3A_135 = vector.load %arg5[%get3A_133, %get3A_134] : memref<400x128xf32, #tpu.memory_space<vmem>>, vector<400x128xf32>
        %get3A_136 = arith.constant 0 : index
        %get3A_137 = arith.constant 0 : index
        %get3A_138 = vector.load %arg7[%get3A_136, %get3A_137] : memref<1024x128xf32, #tpu.memory_space<vmem>>, vector<128x128xf32>
        %dot_general3A = arith.constant dense<0.000000e+00> : vector<400x128xf32>
        %dot_general3A_139 = tpu.matmul %convert_element_type3A_132, %get3A_138, %dot_general3A {dimension_numbers = #tpu.dot_dimension_numbers<[1], [0], [0], [1], [0, 0, 1, 1], [], []>, transpose_lhs_hint = false} : vector<400x128xf32>, vector<128x128xf32>, vector<400x128xf32> -> vector<400x128xf32>
        %add3A_140 = arith.addf %get3A_135, %dot_general3A_139 : vector<400x128xf32>
        %swap3A_141 = arith.constant 0 : index
        %swap3A_142 = arith.constant 0 : index
        %swap3A_143 = vector.load %arg5[%swap3A_141, %swap3A_142] : memref<400x128xf32, #tpu.memory_space<vmem>>, vector<400x128xf32>
        tpu.vector_store %arg5[%swap3A_141, %swap3A_142], %add3A_140 {strides = array<i32>} : memref<400x128xf32, #tpu.memory_space<vmem>>, vector<400x128xf32>,
        %get3A_144 = arith.constant 1 : index
        %get3A_145 = arith.constant 0 : index
        %get3A_146 = vector.load %arg9[%get3A_144, %get3A_145] : memref<8x128xi32, #tpu.memory_space<vmem>>, vector<1x128xi32>
        %get3A_147 = vector.shape_cast %get3A_146 : vector<1x128xi32> to vector<128xi32>
        %reshape3A_148 = vector.shape_cast %get3A_147 : vector<128xi32> to vector<1x128xi32>
        %add3A_149 = arith.constant 128 : i32
        %add3A_150 = arith.addi %min3A_39, %add3A_149 : i32
        %add3A_151 = vector.broadcast %add3A_150 : i32 to vector<1x128xi32>
        %add3A_152 = arith.addi %iota3A_7, %add3A_151 : vector<1x128xi32>
        %sub3A_153 = vector.broadcast %mul3A_6 : i32 to vector<1x128xi32>
        %sub3A_154 = arith.subi %reshape3A_148, %sub3A_153 : vector<1x128xi32>
        %eq3A_155 = vector.broadcast %sub3A_154 : vector<1x128xi32> to vector<400x128xi32>
        %eq3A_156 = arith.cmpi eq, %eq3A_155, %iota3A : vector<400x128xi32>
        %ge3A_157 = vector.broadcast %while3A_37 : i32 to vector<1x128xi32>
        %ge3A_158 = arith.cmpi sge, %add3A_152, %ge3A_157 : vector<1x128xi32>
        %and3A_159 = vector.broadcast %ge3A_158 : vector<1x128xi1> to vector<400x128xi1>
        %and3A_160 = arith.andi %eq3A_156, %and3A_159 : vector<400x128xi1>
        %convert_element_type3A_161 = arith.extui %and3A_160 : vector<400x128xi1> to vector<400x128xi32>
        %convert_element_type3A_162 = arith.sitofp %convert_element_type3A_161 : vector<400x128xi32> to vector<400x128xf32>
        %get3A_163 = arith.constant 0 : index
        %get3A_164 = arith.constant 0 : index
        %get3A_165 = vector.load %arg5[%get3A_163, %get3A_164] : memref<400x128xf32, #tpu.memory_space<vmem>>, vector<400x128xf32>
        %get3A_166 = arith.constant 128 : index
        %get3A_167 = arith.constant 0 : index
        %get3A_168 = vector.load %arg7[%get3A_166, %get3A_167] : memref<1024x128xf32, #tpu.memory_space<vmem>>, vector<128x128xf32>
        %dot_general3A_169 = arith.constant dense<0.000000e+00> : vector<400x128xf32>
        %dot_general3A_170 = tpu.matmul %convert_element_type3A_162, %get3A_168, %dot_general3A_169 {dimension_numbers = #tpu.dot_dimension_numbers<[1], [0], [0], [1], [0, 0, 1, 1], [], []>, transpose_lhs_hint = false} : vector<400x128xf32>, vector<128x128xf32>, vector<400x128xf32> -> vector<400x128xf32>
        %add3A_171 = arith.addf %get3A_165, %dot_general3A_170 : vector<400x128xf32>
        %swap3A_172 = arith.constant 0 : index
        %swap3A_173 = arith.constant 0 : index
        %swap3A_174 = vector.load %arg5[%swap3A_172, %swap3A_173] : memref<400x128xf32, #tpu.memory_space<vmem>>, vector<400x128xf32>
        tpu.vector_store %arg5[%swap3A_172, %swap3A_173], %add3A_171 {strides = array<i32>} : memref<400x128xf32, #tpu.memory_space<vmem>>, vector<400x128xf32>,
        %get3A_175 = arith.constant 2 : index
        %get3A_176 = arith.constant 0 : index
        %get3A_177 = vector.load %arg9[%get3A_175, %get3A_176] : memref<8x128xi32, #tpu.memory_space<vmem>>, vector<1x128xi32>
        %get3A_178 = vector.shape_cast %get3A_177 : vector<1x128xi32> to vector<128xi32>
        %reshape3A_179 = vector.shape_cast %get3A_178 : vector<128xi32> to vector<1x128xi32>
        %add3A_180 = arith.constant 256 : i32
        %add3A_181 = arith.addi %min3A_39, %add3A_180 : i32
        %add3A_182 = vector.broadcast %add3A_181 : i32 to vector<1x128xi32>
        %add3A_183 = arith.addi %iota3A_7, %add3A_182 : vector<1x128xi32>
        %sub3A_184 = vector.broadcast %mul3A_6 : i32 to vector<1x128xi32>
        %sub3A_185 = arith.subi %reshape3A_179, %sub3A_184 : vector<1x128xi32>
        %eq3A_186 = vector.broadcast %sub3A_185 : vector<1x128xi32> to vector<400x128xi32>
        %eq3A_187 = arith.cmpi eq, %eq3A_186, %iota3A : vector<400x128xi32>
        %ge3A_188 = vector.broadcast %while3A_37 : i32 to vector<1x128xi32>
        %ge3A_189 = arith.cmpi sge, %add3A_183, %ge3A_188 : vector<1x128xi32>
        %and3A_190 = vector.broadcast %ge3A_189 : vector<1x128xi1> to vector<400x128xi1>
        %and3A_191 = arith.andi %eq3A_187, %and3A_190 : vector<400x128xi1>
        %convert_element_type3A_192 = arith.extui %and3A_191 : vector<400x128xi1> to vector<400x128xi32>
        %convert_element_type3A_193 = arith.sitofp %convert_element_type3A_192 : vector<400x128xi32> to vector<400x128xf32>
        %get3A_194 = arith.constant 0 : index
        %get3A_195 = arith.constant 0 : index
        %get3A_196 = vector.load %arg5[%get3A_194, %get3A_195] : memref<400x128xf32, #tpu.memory_space<vmem>>, vector<400x128xf32>
        %get3A_197 = arith.constant 256 : index
        %get3A_198 = arith.constant 0 : index
        %get3A_199 = vector.load %arg7[%get3A_197, %get3A_198] : memref<1024x128xf32, #tpu.memory_space<vmem>>, vector<128x128xf32>
        %dot_general3A_200 = arith.constant dense<0.000000e+00> : vector<400x128xf32>
        %dot_general3A_201 = tpu.matmul %convert_element_type3A_193, %get3A_199, %dot_general3A_200 {dimension_numbers = #tpu.dot_dimension_numbers<[1], [0], [0], [1], [0, 0, 1, 1], [], []>, transpose_lhs_hint = false} : vector<400x128xf32>, vector<128x128xf32>, vector<400x128xf32> -> vector<400x128xf32>
        %add3A_202 = arith.addf %get3A_196, %dot_general3A_201 : vector<400x128xf32>
        %swap3A_203 = arith.constant 0 : index
        %swap3A_204 = arith.constant 0 : index
        %swap3A_205 = vector.load %arg5[%swap3A_203, %swap3A_204] : memref<400x128xf32, #tpu.memory_space<vmem>>, vector<400x128xf32>
        tpu.vector_store %arg5[%swap3A_203, %swap3A_204], %add3A_202 {strides = array<i32>} : memref<400x128xf32, #tpu.memory_space<vmem>>, vector<400x128xf32>,
        %get3A_206 = arith.constant 3 : index
        %get3A_207 = arith.constant 0 : index
        %get3A_208 = vector.load %arg9[%get3A_206, %get3A_207] : memref<8x128xi32, #tpu.memory_space<vmem>>, vector<1x128xi32>
        %get3A_209 = vector.shape_cast %get3A_208 : vector<1x128xi32> to vector<128xi32>
        %reshape3A_210 = vector.shape_cast %get3A_209 : vector<128xi32> to vector<1x128xi32>
        %add3A_211 = arith.constant 384 : i32
        %add3A_212 = arith.addi %min3A_39, %add3A_211 : i32
        %add3A_213 = vector.broadcast %add3A_212 : i32 to vector<1x128xi32>
        %add3A_214 = arith.addi %iota3A_7, %add3A_213 : vector<1x128xi32>
        %sub3A_215 = vector.broadcast %mul3A_6 : i32 to vector<1x128xi32>
        %sub3A_216 = arith.subi %reshape3A_210, %sub3A_215 : vector<1x128xi32>
        %eq3A_217 = vector.broadcast %sub3A_216 : vector<1x128xi32> to vector<400x128xi32>
        %eq3A_218 = arith.cmpi eq, %eq3A_217, %iota3A : vector<400x128xi32>
        %ge3A_219 = vector.broadcast %while3A_37 : i32 to vector<1x128xi32>
        %ge3A_220 = arith.cmpi sge, %add3A_214, %ge3A_219 : vector<1x128xi32>
        %and3A_221 = vector.broadcast %ge3A_220 : vector<1x128xi1> to vector<400x128xi1>
        %and3A_222 = arith.andi %eq3A_218, %and3A_221 : vector<400x128xi1>
        %convert_element_type3A_223 = arith.extui %and3A_222 : vector<400x128xi1> to vector<400x128xi32>
        %convert_element_type3A_224 = arith.sitofp %convert_element_type3A_223 : vector<400x128xi32> to vector<400x128xf32>
        %get3A_225 = arith.constant 0 : index
        %get3A_226 = arith.constant 0 : index
        %get3A_227 = vector.load %arg5[%get3A_225, %get3A_226] : memref<400x128xf32, #tpu.memory_space<vmem>>, vector<400x128xf32>
        %get3A_228 = arith.constant 384 : index
        %get3A_229 = arith.constant 0 : index
        %get3A_230 = vector.load %arg7[%get3A_228, %get3A_229] : memref<1024x128xf32, #tpu.memory_space<vmem>>, vector<128x128xf32>
        %dot_general3A_231 = arith.constant dense<0.000000e+00> : vector<400x128xf32>
        %dot_general3A_232 = tpu.matmul %convert_element_type3A_224, %get3A_230, %dot_general3A_231 {dimension_numbers = #tpu.dot_dimension_numbers<[1], [0], [0], [1], [0, 0, 1, 1], [], []>, transpose_lhs_hint = false} : vector<400x128xf32>, vector<128x128xf32>, vector<400x128xf32> -> vector<400x128xf32>
        %add3A_233 = arith.addf %get3A_227, %dot_general3A_232 : vector<400x128xf32>
        %swap3A_234 = arith.constant 0 : index
        %swap3A_235 = arith.constant 0 : index
        %swap3A_236 = vector.load %arg5[%swap3A_234, %swap3A_235] : memref<400x128xf32, #tpu.memory_space<vmem>>, vector<400x128xf32>
        tpu.vector_store %arg5[%swap3A_234, %swap3A_235], %add3A_233 {strides = array<i32>} : memref<400x128xf32, #tpu.memory_space<vmem>>, vector<400x128xf32>,
        %get3A_237 = arith.constant 4 : index
        %get3A_238 = arith.constant 0 : index
        %get3A_239 = vector.load %arg9[%get3A_237, %get3A_238] : memref<8x128xi32, #tpu.memory_space<vmem>>, vector<1x128xi32>
        %get3A_240 = vector.shape_cast %get3A_239 : vector<1x128xi32> to vector<128xi32>
        %reshape3A_241 = vector.shape_cast %get3A_240 : vector<128xi32> to vector<1x128xi32>
        %add3A_242 = arith.constant 512 : i32
        %add3A_243 = arith.addi %min3A_39, %add3A_242 : i32
        %add3A_244 = vector.broadcast %add3A_243 : i32 to vector<1x128xi32>
        %add3A_245 = arith.addi %iota3A_7, %add3A_244 : vector<1x128xi32>
        %sub3A_246 = vector.broadcast %mul3A_6 : i32 to vector<1x128xi32>
        %sub3A_247 = arith.subi %reshape3A_241, %sub3A_246 : vector<1x128xi32>
        %eq3A_248 = vector.broadcast %sub3A_247 : vector<1x128xi32> to vector<400x128xi32>
        %eq3A_249 = arith.cmpi eq, %eq3A_248, %iota3A : vector<400x128xi32>
        %ge3A_250 = vector.broadcast %while3A_37 : i32 to vector<1x128xi32>
        %ge3A_251 = arith.cmpi sge, %add3A_245, %ge3A_250 : vector<1x128xi32>
        %and3A_252 = vector.broadcast %ge3A_251 : vector<1x128xi1> to vector<400x128xi1>
        %and3A_253 = arith.andi %eq3A_249, %and3A_252 : vector<400x128xi1>
        %convert_element_type3A_254 = arith.extui %and3A_253 : vector<400x128xi1> to vector<400x128xi32>
        %convert_element_type3A_255 = arith.sitofp %convert_element_type3A_254 : vector<400x128xi32> to vector<400x128xf32>
        %get3A_256 = arith.constant 0 : index
        %get3A_257 = arith.constant 0 : index
        %get3A_258 = vector.load %arg5[%get3A_256, %get3A_257] : memref<400x128xf32, #tpu.memory_space<vmem>>, vector<400x128xf32>
        %get3A_259 = arith.constant 512 : index
        %get3A_260 = arith.constant 0 : index
        %get3A_261 = vector.load %arg7[%get3A_259, %get3A_260] : memref<1024x128xf32, #tpu.memory_space<vmem>>, vector<128x128xf32>
        %dot_general3A_262 = arith.constant dense<0.000000e+00> : vector<400x128xf32>
        %dot_general3A_263 = tpu.matmul %convert_element_type3A_255, %get3A_261, %dot_general3A_262 {dimension_numbers = #tpu.dot_dimension_numbers<[1], [0], [0], [1], [0, 0, 1, 1], [], []>, transpose_lhs_hint = false} : vector<400x128xf32>, vector<128x128xf32>, vector<400x128xf32> -> vector<400x128xf32>
        %add3A_264 = arith.addf %get3A_258, %dot_general3A_263 : vector<400x128xf32>
        %swap3A_265 = arith.constant 0 : index
        %swap3A_266 = arith.constant 0 : index
        %swap3A_267 = vector.load %arg5[%swap3A_265, %swap3A_266] : memref<400x128xf32, #tpu.memory_space<vmem>>, vector<400x128xf32>
        tpu.vector_store %arg5[%swap3A_265, %swap3A_266], %add3A_264 {strides = array<i32>} : memref<400x128xf32, #tpu.memory_space<vmem>>, vector<400x128xf32>,
        %get3A_268 = arith.constant 5 : index
        %get3A_269 = arith.constant 0 : index
        %get3A_270 = vector.load %arg9[%get3A_268, %get3A_269] : memref<8x128xi32, #tpu.memory_space<vmem>>, vector<1x128xi32>
        %get3A_271 = vector.shape_cast %get3A_270 : vector<1x128xi32> to vector<128xi32>
        %reshape3A_272 = vector.shape_cast %get3A_271 : vector<128xi32> to vector<1x128xi32>
        %add3A_273 = arith.constant 640 : i32
        %add3A_274 = arith.addi %min3A_39, %add3A_273 : i32
        %add3A_275 = vector.broadcast %add3A_274 : i32 to vector<1x128xi32>
        %add3A_276 = arith.addi %iota3A_7, %add3A_275 : vector<1x128xi32>
        %sub3A_277 = vector.broadcast %mul3A_6 : i32 to vector<1x128xi32>
        %sub3A_278 = arith.subi %reshape3A_272, %sub3A_277 : vector<1x128xi32>
        %eq3A_279 = vector.broadcast %sub3A_278 : vector<1x128xi32> to vector<400x128xi32>
        %eq3A_280 = arith.cmpi eq, %eq3A_279, %iota3A : vector<400x128xi32>
        %ge3A_281 = vector.broadcast %while3A_37 : i32 to vector<1x128xi32>
        %ge3A_282 = arith.cmpi sge, %add3A_276, %ge3A_281 : vector<1x128xi32>
        %and3A_283 = vector.broadcast %ge3A_282 : vector<1x128xi1> to vector<400x128xi1>
        %and3A_284 = arith.andi %eq3A_280, %and3A_283 : vector<400x128xi1>
        %convert_element_type3A_285 = arith.extui %and3A_284 : vector<400x128xi1> to vector<400x128xi32>
        %convert_element_type3A_286 = arith.sitofp %convert_element_type3A_285 : vector<400x128xi32> to vector<400x128xf32>
        %get3A_287 = arith.constant 0 : index
        %get3A_288 = arith.constant 0 : index
        %get3A_289 = vector.load %arg5[%get3A_287, %get3A_288] : memref<400x128xf32, #tpu.memory_space<vmem>>, vector<400x128xf32>
        %get3A_290 = arith.constant 640 : index
        %get3A_291 = arith.constant 0 : index
        %get3A_292 = vector.load %arg7[%get3A_290, %get3A_291] : memref<1024x128xf32, #tpu.memory_space<vmem>>, vector<128x128xf32>
        %dot_general3A_293 = arith.constant dense<0.000000e+00> : vector<400x128xf32>
        %dot_general3A_294 = tpu.matmul %convert_element_type3A_286, %get3A_292, %dot_general3A_293 {dimension_numbers = #tpu.dot_dimension_numbers<[1], [0], [0], [1], [0, 0, 1, 1], [], []>, transpose_lhs_hint = false} : vector<400x128xf32>, vector<128x128xf32>, vector<400x128xf32> -> vector<400x128xf32>
        %add3A_295 = arith.addf %get3A_289, %dot_general3A_294 : vector<400x128xf32>
        %swap3A_296 = arith.constant 0 : index
        %swap3A_297 = arith.constant 0 : index
        %swap3A_298 = vector.load %arg5[%swap3A_296, %swap3A_297] : memref<400x128xf32, #tpu.memory_space<vmem>>, vector<400x128xf32>
        tpu.vector_store %arg5[%swap3A_296, %swap3A_297], %add3A_295 {strides = array<i32>} : memref<400x128xf32, #tpu.memory_space<vmem>>, vector<400x128xf32>,
        %get3A_299 = arith.constant 6 : index
        %get3A_300 = arith.constant 0 : index
        %get3A_301 = vector.load %arg9[%get3A_299, %get3A_300] : memref<8x128xi32, #tpu.memory_space<vmem>>, vector<1x128xi32>
        %get3A_302 = vector.shape_cast %get3A_301 : vector<1x128xi32> to vector<128xi32>
        %reshape3A_303 = vector.shape_cast %get3A_302 : vector<128xi32> to vector<1x128xi32>
        %add3A_304 = arith.constant 768 : i32
        %add3A_305 = arith.addi %min3A_39, %add3A_304 : i32
        %add3A_306 = vector.broadcast %add3A_305 : i32 to vector<1x128xi32>
        %add3A_307 = arith.addi %iota3A_7, %add3A_306 : vector<1x128xi32>
        %sub3A_308 = vector.broadcast %mul3A_6 : i32 to vector<1x128xi32>
        %sub3A_309 = arith.subi %reshape3A_303, %sub3A_308 : vector<1x128xi32>
        %eq3A_310 = vector.broadcast %sub3A_309 : vector<1x128xi32> to vector<400x128xi32>
        %eq3A_311 = arith.cmpi eq, %eq3A_310, %iota3A : vector<400x128xi32>
        %ge3A_312 = vector.broadcast %while3A_37 : i32 to vector<1x128xi32>
        %ge3A_313 = arith.cmpi sge, %add3A_307, %ge3A_312 : vector<1x128xi32>
        %and3A_314 = vector.broadcast %ge3A_313 : vector<1x128xi1> to vector<400x128xi1>
        %and3A_315 = arith.andi %eq3A_311, %and3A_314 : vector<400x128xi1>
        %convert_element_type3A_316 = arith.extui %and3A_315 : vector<400x128xi1> to vector<400x128xi32>
        %convert_element_type3A_317 = arith.sitofp %convert_element_type3A_316 : vector<400x128xi32> to vector<400x128xf32>
        %get3A_318 = arith.constant 0 : index
        %get3A_319 = arith.constant 0 : index
        %get3A_320 = vector.load %arg5[%get3A_318, %get3A_319] : memref<400x128xf32, #tpu.memory_space<vmem>>, vector<400x128xf32>
        %get3A_321 = arith.constant 768 : index
        %get3A_322 = arith.constant 0 : index
        %get3A_323 = vector.load %arg7[%get3A_321, %get3A_322] : memref<1024x128xf32, #tpu.memory_space<vmem>>, vector<128x128xf32>
        %dot_general3A_324 = arith.constant dense<0.000000e+00> : vector<400x128xf32>
        %dot_general3A_325 = tpu.matmul %convert_element_type3A_317, %get3A_323, %dot_general3A_324 {dimension_numbers = #tpu.dot_dimension_numbers<[1], [0], [0], [1], [0, 0, 1, 1], [], []>, transpose_lhs_hint = false} : vector<400x128xf32>, vector<128x128xf32>, vector<400x128xf32> -> vector<400x128xf32>
        %add3A_326 = arith.addf %get3A_320, %dot_general3A_325 : vector<400x128xf32>
        %swap3A_327 = arith.constant 0 : index
        %swap3A_328 = arith.constant 0 : index
        %swap3A_329 = vector.load %arg5[%swap3A_327, %swap3A_328] : memref<400x128xf32, #tpu.memory_space<vmem>>, vector<400x128xf32>
        tpu.vector_store %arg5[%swap3A_327, %swap3A_328], %add3A_326 {strides = array<i32>} : memref<400x128xf32, #tpu.memory_space<vmem>>, vector<400x128xf32>,
        %get3A_330 = arith.constant 7 : index
        %get3A_331 = arith.constant 0 : index
        %get3A_332 = vector.load %arg9[%get3A_330, %get3A_331] : memref<8x128xi32, #tpu.memory_space<vmem>>, vector<1x128xi32>
        %get3A_333 = vector.shape_cast %get3A_332 : vector<1x128xi32> to vector<128xi32>
        %reshape3A_334 = vector.shape_cast %get3A_333 : vector<128xi32> to vector<1x128xi32>
        %add3A_335 = arith.constant 896 : i32
        %add3A_336 = arith.addi %min3A_39, %add3A_335 : i32
        %add3A_337 = vector.broadcast %add3A_336 : i32 to vector<1x128xi32>
        %add3A_338 = arith.addi %iota3A_7, %add3A_337 : vector<1x128xi32>
        %sub3A_339 = vector.broadcast %mul3A_6 : i32 to vector<1x128xi32>
        %sub3A_340 = arith.subi %reshape3A_334, %sub3A_339 : vector<1x128xi32>
        %eq3A_341 = vector.broadcast %sub3A_340 : vector<1x128xi32> to vector<400x128xi32>
        %eq3A_342 = arith.cmpi eq, %eq3A_341, %iota3A : vector<400x128xi32>
        %ge3A_343 = vector.broadcast %while3A_37 : i32 to vector<1x128xi32>
        %ge3A_344 = arith.cmpi sge, %add3A_338, %ge3A_343 : vector<1x128xi32>
        %and3A_345 = vector.broadcast %ge3A_344 : vector<1x128xi1> to vector<400x128xi1>
        %and3A_346 = arith.andi %eq3A_342, %and3A_345 : vector<400x128xi1>
        %convert_element_type3A_347 = arith.extui %and3A_346 : vector<400x128xi1> to vector<400x128xi32>
        %convert_element_type3A_348 = arith.sitofp %convert_element_type3A_347 : vector<400x128xi32> to vector<400x128xf32>
        %get3A_349 = arith.constant 0 : index
        %get3A_350 = arith.constant 0 : index
        %get3A_351 = vector.load %arg5[%get3A_349, %get3A_350] : memref<400x128xf32, #tpu.memory_space<vmem>>, vector<400x128xf32>
        %get3A_352 = arith.constant 896 : index
        %get3A_353 = arith.constant 0 : index
        %get3A_354 = vector.load %arg7[%get3A_352, %get3A_353] : memref<1024x128xf32, #tpu.memory_space<vmem>>, vector<128x128xf32>
        %dot_general3A_355 = arith.constant dense<0.000000e+00> : vector<400x128xf32>
        %dot_general3A_356 = tpu.matmul %convert_element_type3A_348, %get3A_354, %dot_general3A_355 {dimension_numbers = #tpu.dot_dimension_numbers<[1], [0], [0], [1], [0, 0, 1, 1], [], []>, transpose_lhs_hint = false} : vector<400x128xf32>, vector<128x128xf32>, vector<400x128xf32> -> vector<400x128xf32>
        %add3A_357 = arith.addf %get3A_351, %dot_general3A_356 : vector<400x128xf32>
        %swap3A_358 = arith.constant 0 : index
        %swap3A_359 = arith.constant 0 : index
        %swap3A_360 = vector.load %arg5[%swap3A_358, %swap3A_359] : memref<400x128xf32, #tpu.memory_space<vmem>>, vector<400x128xf32>
        tpu.vector_store %arg5[%swap3A_358, %swap3A_359], %add3A_357 {strides = array<i32>} : memref<400x128xf32, #tpu.memory_space<vmem>>, vector<400x128xf32>,
      } else {
      }
      %add3A_83 = arith.constant 1 : i32
      %add3A_84 = arith.addi %while3A_38, %add3A_83 : i32
      scf.yield %add3A_41, %add3A_84 : i32, i32
    }
    %get3A_31 = arith.constant 0 : index
    %get3A_32 = arith.constant 0 : index
    %get3A_33 = vector.load %arg5[%get3A_31, %get3A_32] : memref<400x128xf32, #tpu.memory_space<vmem>>, vector<400x128xf32>
    %swap3A_34 = arith.constant 0 : index
    %swap3A_35 = arith.constant 0 : index
    %swap3A_36 = vector.load %arg4[%swap3A_34, %swap3A_35] : memref<400x128xf32, #tpu.memory_space<vmem>>, vector<400x128xf32>
    tpu.vector_store %arg4[%swap3A_34, %swap3A_35], %get3A_33 {strides = array<i32>} : memref<400x128xf32, #tpu.memory_space<vmem>>, vector<400x128xf32>,
    return
  }
  func.func @transform_0(%arg0: i32) -> (i32, i32) {
    %c0_i32 = arith.constant 0 : i32
    %c0_i32_0 = arith.constant 0 : i32
    %c0_i32_1 = arith.constant 0 : i32
    return %c0_i32, %c0_i32_0 : i32, i32
  }
  func.func @transform_3(%arg0: i32) -> (i32, i32) {
    %c0_i32 = arith.constant 0 : i32
    %c0_i32_0 = arith.constant 0 : i32
    return %arg0, %c0_i32 : i32, i32
  }
}

module attributes {stable_mosaic.version = 14 : i64} {
  func.func @_node_mlp_body(%arg0: i32, %arg1: memref<1000x128xf32, #tpu.memory_space<vmem>>, %arg2: memref<1000x128xf32, #tpu.memory_space<vmem>>, %arg3: memref<128x128xf32, #tpu.memory_space<vmem>>, %arg4: memref<128x128xf32, #tpu.memory_space<vmem>>, %arg5: memref<1x128xf32, #tpu.memory_space<vmem>>, %arg6: memref<128x128xf32, #tpu.memory_space<vmem>>, %arg7: memref<1x128xf32, #tpu.memory_space<vmem>>, %arg8: memref<1x128xf32, #tpu.memory_space<vmem>>, %arg9: memref<1x128xf32, #tpu.memory_space<vmem>>, %arg10: memref<1000x128xf32, #tpu.memory_space<vmem>>) attributes {dimension_semantics = [#tpu.dimension_semantics<arbitrary>], iteration_bounds = array<i64: 50>, scalar_prefetch = 0 : i64, scratch_operands = 0 : i64, tpu.core_type = #tpu.core_type<tc>, window_params = [{transform_indices = @transform_0, window_bounds = array<i64: 1000, 128>}, {transform_indices = @transform_1, window_bounds = array<i64: 1000, 128>}, {pipeline_mode = #tpu.pipeline_mode<synchronous>, transform_indices = @transform_2, window_bounds = array<i64: 128, 128>}, {pipeline_mode = #tpu.pipeline_mode<synchronous>, transform_indices = @transform_3, window_bounds = array<i64: 128, 128>}, {pipeline_mode = #tpu.pipeline_mode<synchronous>, transform_indices = @transform_4, window_bounds = array<i64: 1, 128>}, {pipeline_mode = #tpu.pipeline_mode<synchronous>, transform_indices = @transform_5, window_bounds = array<i64: 128, 128>}, {pipeline_mode = #tpu.pipeline_mode<synchronous>, transform_indices = @transform_6, window_bounds = array<i64: 1, 128>}, {pipeline_mode = #tpu.pipeline_mode<synchronous>, transform_indices = @transform_7, window_bounds = array<i64: 1, 128>}, {pipeline_mode = #tpu.pipeline_mode<synchronous>, transform_indices = @transform_8, window_bounds = array<i64: 1, 128>}, {transform_indices = @transform_9, window_bounds = array<i64: 1000, 128>}]} {
    %get3A = arith.constant 0 : index
    %get3A_0 = arith.constant 0 : index
    %get3A_1 = vector.load %arg1[%get3A, %get3A_0] : memref<1000x128xf32, #tpu.memory_space<vmem>>, vector<1000x128xf32>
    %get3A_2 = arith.constant 0 : index
    %get3A_3 = arith.constant 0 : index
    %get3A_4 = vector.load %arg3[%get3A_2, %get3A_3] : memref<128x128xf32, #tpu.memory_space<vmem>>, vector<128x128xf32>
    %dot_general3A = arith.constant dense<0.000000e+00> : vector<1000x128xf32>
    %dot_general3A_5 = tpu.matmul %get3A_1, %get3A_4, %dot_general3A {dimension_numbers = #tpu.dot_dimension_numbers<[1], [0], [0], [1], [0, 0, 1, 1], [], []>, transpose_lhs_hint = false} : vector<1000x128xf32>, vector<128x128xf32>, vector<1000x128xf32> -> vector<1000x128xf32>
    %get3A_6 = arith.constant 0 : index
    %get3A_7 = arith.constant 0 : index
    %get3A_8 = vector.load %arg2[%get3A_6, %get3A_7] : memref<1000x128xf32, #tpu.memory_space<vmem>>, vector<1000x128xf32>
    %get3A_9 = arith.constant 0 : index
    %get3A_10 = arith.constant 0 : index
    %get3A_11 = vector.load %arg4[%get3A_9, %get3A_10] : memref<128x128xf32, #tpu.memory_space<vmem>>, vector<128x128xf32>
    %dot_general3A_12 = arith.constant dense<0.000000e+00> : vector<1000x128xf32>
    %dot_general3A_13 = tpu.matmul %get3A_8, %get3A_11, %dot_general3A_12 {dimension_numbers = #tpu.dot_dimension_numbers<[1], [0], [0], [1], [0, 0, 1, 1], [], []>, transpose_lhs_hint = false} : vector<1000x128xf32>, vector<128x128xf32>, vector<1000x128xf32> -> vector<1000x128xf32>
    %add3A = arith.addf %dot_general3A_5, %dot_general3A_13 : vector<1000x128xf32>
    %get3A_14 = arith.constant 0 : index
    %get3A_15 = arith.constant 0 : index
    %get3A_16 = vector.load %arg5[%get3A_14, %get3A_15] : memref<1x128xf32, #tpu.memory_space<vmem>>, vector<1x128xf32>
    %add3A_17 = vector.broadcast %get3A_16 : vector<1x128xf32> to vector<1000x128xf32>
    %add3A_18 = arith.addf %add3A, %add3A_17 : vector<1000x128xf32>
    %logistic3A = arith.negf %add3A_18 : vector<1000x128xf32>
    %logistic3A_19 = math.exp %logistic3A : vector<1000x128xf32>
    %logistic3A_20 = arith.constant 1.000000e+00 : f32
    %logistic3A_21 = vector.broadcast %logistic3A_20 : f32 to vector<1000x128xf32>
    %logistic3A_22 = arith.addf %logistic3A_21, %logistic3A_19 : vector<1000x128xf32>
    %logistic3A_23 = arith.divf %logistic3A_21, %logistic3A_22 : vector<1000x128xf32>
    %mul3A = arith.mulf %add3A_18, %logistic3A_23 : vector<1000x128xf32>
    %get3A_24 = arith.constant 0 : index
    %get3A_25 = arith.constant 0 : index
    %get3A_26 = vector.load %arg6[%get3A_24, %get3A_25] : memref<128x128xf32, #tpu.memory_space<vmem>>, vector<128x128xf32>
    %dot_general3A_27 = arith.constant dense<0.000000e+00> : vector<1000x128xf32>
    %dot_general3A_28 = tpu.matmul %mul3A, %get3A_26, %dot_general3A_27 {dimension_numbers = #tpu.dot_dimension_numbers<[1], [0], [0], [1], [0, 0, 1, 1], [], []>, transpose_lhs_hint = false} : vector<1000x128xf32>, vector<128x128xf32>, vector<1000x128xf32> -> vector<1000x128xf32>
    %get3A_29 = arith.constant 0 : index
    %get3A_30 = arith.constant 0 : index
    %get3A_31 = vector.load %arg7[%get3A_29, %get3A_30] : memref<1x128xf32, #tpu.memory_space<vmem>>, vector<1x128xf32>
    %add3A_32 = vector.broadcast %get3A_31 : vector<1x128xf32> to vector<1000x128xf32>
    %add3A_33 = arith.addf %dot_general3A_28, %add3A_32 : vector<1000x128xf32>
    %reduce_sum3A = arith.constant dense<0.000000e+00> : vector<1000xf32>
    %reduce_sum3A_34 = vector.multi_reduction <add>, %add3A_33, %reduce_sum3A [1] : vector<1000x128xf32> to vector<1000xf32>
    %broadcast_in_dim3A = vector.shape_cast %reduce_sum3A_34 : vector<1000xf32> to vector<1000x1xf32>
    %div3A = arith.constant 1.280000e+02 : f32
    %div3A_35 = vector.broadcast %div3A : f32 to vector<1000x1xf32>
    %div3A_36 = arith.divf %broadcast_in_dim3A, %div3A_35 : vector<1000x1xf32>
    %sub3A = vector.broadcast %div3A_36 : vector<1000x1xf32> to vector<1000x128xf32>
    %sub3A_37 = arith.subf %add3A_33, %sub3A : vector<1000x128xf32>
    %integer_pow3A = arith.mulf %sub3A_37, %sub3A_37 : vector<1000x128xf32>
    %reduce_sum3A_38 = arith.constant dense<0.000000e+00> : vector<1000xf32>
    %reduce_sum3A_39 = vector.multi_reduction <add>, %integer_pow3A, %reduce_sum3A_38 [1] : vector<1000x128xf32> to vector<1000xf32>
    %broadcast_in_dim3A_40 = vector.shape_cast %reduce_sum3A_39 : vector<1000xf32> to vector<1000x1xf32>
    %div3A_41 = arith.constant 1.280000e+02 : f32
    %div3A_42 = vector.broadcast %div3A_41 : f32 to vector<1000x1xf32>
    %div3A_43 = arith.divf %broadcast_in_dim3A_40, %div3A_42 : vector<1000x1xf32>
    %sub3A_44 = vector.broadcast %div3A_36 : vector<1000x1xf32> to vector<1000x128xf32>
    %sub3A_45 = arith.subf %add3A_33, %sub3A_44 : vector<1000x128xf32>
    %add3A_46 = arith.constant 9.99999974E-6 : f32
    %add3A_47 = vector.broadcast %add3A_46 : f32 to vector<1000x1xf32>
    %add3A_48 = arith.addf %div3A_43, %add3A_47 : vector<1000x1xf32>
    %rsqrt3A = math.rsqrt %add3A_48 : vector<1000x1xf32>
    %mul3A_49 = vector.broadcast %rsqrt3A : vector<1000x1xf32> to vector<1000x128xf32>
    %mul3A_50 = arith.mulf %sub3A_45, %mul3A_49 : vector<1000x128xf32>
    %get3A_51 = arith.constant 0 : index
    %get3A_52 = arith.constant 0 : index
    %get3A_53 = vector.load %arg8[%get3A_51, %get3A_52] : memref<1x128xf32, #tpu.memory_space<vmem>>, vector<1x128xf32>
    %mul3A_54 = vector.broadcast %get3A_53 : vector<1x128xf32> to vector<1000x128xf32>
    %mul3A_55 = arith.mulf %mul3A_50, %mul3A_54 : vector<1000x128xf32>
    %get3A_56 = arith.constant 0 : index
    %get3A_57 = arith.constant 0 : index
    %get3A_58 = vector.load %arg9[%get3A_56, %get3A_57] : memref<1x128xf32, #tpu.memory_space<vmem>>, vector<1x128xf32>
    %add3A_59 = vector.broadcast %get3A_58 : vector<1x128xf32> to vector<1000x128xf32>
    %add3A_60 = arith.addf %mul3A_55, %add3A_59 : vector<1000x128xf32>
    %get3A_61 = arith.constant 0 : index
    %get3A_62 = arith.constant 0 : index
    %get3A_63 = vector.load %arg2[%get3A_61, %get3A_62] : memref<1000x128xf32, #tpu.memory_space<vmem>>, vector<1000x128xf32>
    %add3A_64 = arith.addf %add3A_60, %get3A_63 : vector<1000x128xf32>
    %swap3A = arith.constant 0 : index
    %swap3A_65 = arith.constant 0 : index
    %swap3A_66 = vector.load %arg10[%swap3A, %swap3A_65] : memref<1000x128xf32, #tpu.memory_space<vmem>>, vector<1000x128xf32>
    tpu.vector_store %arg10[%swap3A, %swap3A_65], %add3A_64 {strides = array<i32>} : memref<1000x128xf32, #tpu.memory_space<vmem>>, vector<1000x128xf32>,
    return
  }
  func.func @transform_0(%arg0: i32) -> (i32, i32) {
    %c0_i32 = arith.constant 0 : i32
    %c0_i32_0 = arith.constant 0 : i32
    return %arg0, %c0_i32 : i32, i32
  }
  func.func @transform_1(%arg0: i32) -> (i32, i32) {
    %c0_i32 = arith.constant 0 : i32
    %c0_i32_0 = arith.constant 0 : i32
    return %arg0, %c0_i32 : i32, i32
  }
  func.func @transform_2(%arg0: i32) -> (i32, i32) {
    %c0_i32 = arith.constant 0 : i32
    %c0_i32_0 = arith.constant 0 : i32
    %c0_i32_1 = arith.constant 0 : i32
    return %c0_i32, %c0_i32_0 : i32, i32
  }
  func.func @transform_3(%arg0: i32) -> (i32, i32) {
    %c0_i32 = arith.constant 0 : i32
    %c0_i32_0 = arith.constant 0 : i32
    %c0_i32_1 = arith.constant 0 : i32
    return %c0_i32, %c0_i32_0 : i32, i32
  }
  func.func @transform_4(%arg0: i32) -> (i32, i32) {
    %c0_i32 = arith.constant 0 : i32
    %c0_i32_0 = arith.constant 0 : i32
    %c0_i32_1 = arith.constant 0 : i32
    return %c0_i32, %c0_i32_0 : i32, i32
  }
  func.func @transform_5(%arg0: i32) -> (i32, i32) {
    %c0_i32 = arith.constant 0 : i32
    %c0_i32_0 = arith.constant 0 : i32
    %c0_i32_1 = arith.constant 0 : i32
    return %c0_i32, %c0_i32_0 : i32, i32
  }
  func.func @transform_6(%arg0: i32) -> (i32, i32) {
    %c0_i32 = arith.constant 0 : i32
    %c0_i32_0 = arith.constant 0 : i32
    %c0_i32_1 = arith.constant 0 : i32
    return %c0_i32, %c0_i32_0 : i32, i32
  }
  func.func @transform_7(%arg0: i32) -> (i32, i32) {
    %c0_i32 = arith.constant 0 : i32
    %c0_i32_0 = arith.constant 0 : i32
    %c0_i32_1 = arith.constant 0 : i32
    return %c0_i32, %c0_i32_0 : i32, i32
  }
  func.func @transform_8(%arg0: i32) -> (i32, i32) {
    %c0_i32 = arith.constant 0 : i32
    %c0_i32_0 = arith.constant 0 : i32
    %c0_i32_1 = arith.constant 0 : i32
    return %c0_i32, %c0_i32_0 : i32, i32
  }
  func.func @transform_9(%arg0: i32) -> (i32, i32) {
    %c0_i32 = arith.constant 0 : i32
    %c0_i32_0 = arith.constant 0 : i32
    return %arg0, %c0_i32 : i32, i32
  }
}

</mosaic_0001>

<sc_bundles>
// kernel: kernel.9.cloned.1.call-start
scs
__scs_entry_jumppad:
0x0: {  	(pc) =	sbr.rel $0x88, $3  }
0x1: {  	(tag) =	ssettag $0x0;
	lr =	simm.s32 $0x1  }
0x2: {  	[smem:$0x3F90] =	sst lr;
	_ =	strace $0xD0000000  }
0x3: {  	_ = 	snop  }
0x4: {  	_ = 	snop  }
0x5: {  	_ = 	snop  }
0x6: {  	_ = 	snop  }
0x7: {  	_ = 	snop  }
__scs_overlays_trampoline_lowered:
0x8: {  	[smem:$0x3F9F] =	sst s0  }
0x9: {  	[smem:$0x3FA0] =	sst s1  }
0xa: {  	[smem:$0x3FA1] =	sst s2  }
0xb: {  	[smem:$0x3FA2] =	sst s3  }
0xc: {  	[smem:$0x3FA3] =	sst s4  }
0xd: {  	[smem:$0x3FA4] =	sst s5  }
0xe: {  	[smem:$0x3FA5] =	sst s6  }
0xf: {  	[smem:$0x3FA6] =	sst s7  }
0x10: {  	[smem:$0x3FA7] =	sst s8  }
0x11: {  	[smem:$0x3FA8] =	sst s9;
	s0 =	simm.s32 @!p0 $0x0  }
0x12: {  	s1 =	sld [smem:$0x3F8E];
	s0 =	simm.s32 @p0 $0x1  }
0x13: {  	[smem:$0x3FA9] =	sst s0;
	s0 =	simm.s32 @!p1 $0x0  }
0x14: {  	s2 =	sld [smem:$0x3F8D];
	s0 =	simm.s32 @p1 $0x1  }
0x15: {  	[smem:$0x3FAA] =	sst s0;
	s0 =	simm.s32 @!p2 $0x0  }
0x16: {  	s3 =	sld [smem:$0x3FDB];
	s0 =	simm.s32 @p2 $0x1  }
0x17: {  	s4 =	simm.s32 $0x1BF5;
	[smem:$0x3FAC] =	sst s0  }
0x18: {  	s0 =	sld [smem:$0x3F8F];
	_ =	swait.ge [sflag:s4], $0x0  }
0x19: {  	s7 =	sld [smem:$0x3F90]  }
0x1a: {  	s8 =	sadd.s32 $0xFFFFE003, lr  }
0x1b: {  	s9 =	sadd.s32 $0xFFFFFEF7, lr;
	s5 =	simm.s32 $0xFFFFFFFF;
	p2 =	slt.u32 s8, $0xFFFFF086  }
0x1c: {  	p1 =	slt.u32 s9, $0xF7A;
	s5 =	simm.s32 @!p2 $0x0  }
0x1d: {  	s5 =	simm.s32 @p1 $0x1;
	p0 =	seq.s32 s7, s2  }
0x1e: {  	s7 =	smul.u32 @!p0 $0xF7A, s2;
	p2 =	seq.s32 @!p0 s5, $0x0  }
0x1f: {  	s9 =	smul.u32 $0xF7A, s1;
	s8 =	simm.s32 @!p0 $0x1BF5;
	p2 =	por !p2, p0  }
0x20: {  	[sflag:s8] =	ssyncset.s32 @!p0 $0xFFFFF086;
	s6 =	sadd.s32 @!p0 s3, s7;
	s7 =	simm.s32 @!p0 $0x108  }
0x21: {  	s3 =	sadd.s32 s3, s9;
	s6 =	sadd.s32 @!p0 $0x88, s6;
	s7 =	simm.s32 @p2 $0x1082  }
0x22: {  	[simem:s7], [sflag:s8] =	dma.local @!p0 [hbm:s6], $0xF7A  }
0x23: {  	s9 =	sor.u32 $0xD0000000, s2;
	s6 =	simm.s32 $0x108;
	_ =	swait.ge @!p0 [sflag:s8], $0x0  }
0x24: {  	s3 =	sadd.s32 $0x88, s3;
	s6 =	simm.s32 @!p1 $0x1082;
	[sflag:s4] =	ssyncset.s32 $0xFFFFF086  }
0x25: {  	[simem:s6], [sflag:s4] =	dma.local [hbm:s3], $0xF7A  }
0x26: {  	[smem:$0x3F90] =	sst s1;
	(tag) =	ssettag s2;
	_ =	strace s9  }
0x27: {  	s1 =	sld [smem:$0x3FA0]  }
0x28: {  	s2 =	sld [smem:$0x3FA1]  }
0x29: {  	s4 =	sld [smem:$0x3FA3]  }
0x2a: {  	p0 =	seq.s32 s5, $0x0;
	s5 =	sld [smem:$0x3FA4]  }
0x2b: {  	s6 =	sld [smem:$0x3FA5]  }
0x2c: {  	s7 =	sld [smem:$0x3FA6]  }
0x2d: {  	s3 =	simm.s32 $0x108;
	s8 =	sld [smem:$0x3FA7]  }
0x2e: {  	s3 =	simm.s32 @!p0 $0x1082;
	s9 =	sld [smem:$0x3FA8]  }
0x2f: {  	lr =	sadd.s32 s0, s3;
	s0 =	sld [smem:$0x3F9F]  }
0x30: {  	s3 =	sld [smem:$0x3FA2]  }
0x31: {  	[smem:$0x3FAB] =	sst s10  }
0x32: {  	s10 =	sld [smem:$0x3FA9];
	_ =	sdelay $0x3  }
0x33: {  	p0 =	seq.s32 s10, $0x1;
	s10 =	sld [smem:$0x3FAB];
	_ =	sdelay $0x3  }
0x34: {  	[smem:$0x3FAB] =	sst s10  }
0x35: {  	s10 =	sld [smem:$0x3FAA];
	_ =	sdelay $0x3  }
0x36: {  	p1 =	seq.s32 s10, $0x1;
	s10 =	sld [smem:$0x3FAB];
	_ =	sdelay $0x3  }
0x37: {  	[smem:$0x3FAB] =	sst s10  }
0x38: {  	s10 =	sld [smem:$0x3FAC]  }
0x39: {  	_ = 	snop;
	(pc) =	sbr.ind lr, $3  }
0x3a: {  	_ = 	snop  }
0x3b: {  	_ = 	snop  }
0x3c: {  	p2 =	seq.s32 s10, $0x1;
	s10 =	sld [smem:$0x3FAB]  }
0x3d: {  	_ =	shalt  }
0x3e: {  	_ =	shalt  }
0x3f: {  	_ =	shalt  }
0x40: {  	_ =	shalt  }
0x41: {  	_ =	shalt  }
0x42: {  	_ =	shalt  }
0x43: {  	_ =	shalt  }
0x44: {  	_ =	shalt  }
0x45: {  	_ =	shalt  }
0x46: {  	_ =	shalt  }
0x47: {  	_ =	shalt  }
0x48: {  	_ =	shalt  }
0x49: {  	_ =	shalt  }
0x4a: {  	_ =	shalt  }
0x4b: {  	_ =	shalt  }
0x4c: {  	_ =	shalt  }
0x4d: {  	_ =	shalt  }
0x4e: {  	_ =	shalt  }
0x4f: {  	_ =	shalt  }
0x50: {  	_ =	shalt  }
0x51: {  	_ =	shalt  }
0x52: {  	_ =	shalt  }
0x53: {  	_ =	shalt  }
0x54: {  	_ =	shalt  }
0x55: {  	_ =	shalt  }
0x56: {  	_ =	shalt  }
0x57: {  	_ =	shalt  }
0x58: {  	_ =	shalt  }
0x59: {  	_ =	shalt  }
0x5a: {  	_ =	shalt  }
0x5b: {  	_ =	shalt  }
0x5c: {  	_ =	shalt  }
0x5d: {  	_ =	shalt  }
0x5e: {  	_ =	shalt  }
0x5f: {  	_ =	shalt  }
0x60: {  	_ =	shalt  }
0x61: {  	_ =	shalt  }
0x62: {  	_ =	shalt  }
0x63: {  	_ =	shalt  }
0x64: {  	_ =	shalt  }
0x65: {  	_ =	shalt  }
0x66: {  	_ =	shalt  }
0x67: {  	_ =	shalt  }
0x68: {  	_ =	shalt  }
0x69: {  	_ =	shalt  }
0x6a: {  	_ =	shalt  }
0x6b: {  	_ =	shalt  }
0x6c: {  	_ =	shalt  }
0x6d: {  	_ =	shalt  }
0x6e: {  	_ =	shalt  }
0x6f: {  	_ =	shalt  }
0x70: {  	_ =	shalt  }
0x71: {  	_ =	shalt  }
0x72: {  	_ =	shalt  }
0x73: {  	_ =	shalt  }
0x74: {  	_ =	shalt  }
0x75: {  	_ =	shalt  }
0x76: {  	_ =	shalt  }
0x77: {  	_ =	shalt  }
0x78: {  	_ =	shalt  }
0x79: {  	_ =	shalt  }
0x7a: {  	_ =	shalt  }
0x7b: {  	_ =	shalt  }
0x7c: {  	_ =	shalt  }
0x7d: {  	_ =	shalt  }
0x7e: {  	_ =	shalt  }
0x7f: {  	_ =	shalt  }
0x80: {  	_ =	shalt  }
0x81: {  	_ =	shalt  }
0x82: {  	_ =	shalt  }
0x83: {  	_ =	shalt  }
0x84: {  	_ =	shalt  }
0x85: {  	_ =	shalt  }
0x86: {  	_ =	shalt  }
0x87: {  	_ =	shalt  }
.Lfunc_end0:
.L_simem_size_0:
called_computation_lowered:
.L_overlay_start_0:
0x88: {  	s2 =	sld [smem:$0x3FD9]  }
0x89: {  	s3 =	sld [smem:$0x3FFE];
	_ =	sdelay $0x1  }
0x8a: {  	s1 =	srdreg.scid  }
0x8b: {  	s0 =	sand.u32 $0x1, s1  }
0x8c: {  	s17 =	sshll.u32 s0, $0xA;
	s2 =	sadd.s32 s3, s2  }
0x8d: {  	s2 =	sadd.s32 s2, s17  }
0x8e: {  	[smem:$0x3FB7] =	sst s2  }
0x8f: {  	_ = 	snop  }
0x90: {  	s2 =	sld [smem:$0x3FC6]  }
0x91: {  	s18 =	sld [smem:$0x3FC5]  }
0x92: {  	s4 =	sld [smem:$0x3FD0];
	(tm) =	ssettm $0x1  }
0x93: {  	s5 =	sld [smem:$0x3FFB];
	_ =	sdelay $0x3  }
0x94: {  	_ =	strace s5  }
0x95: {  	s5 =	sld [smem:$0x3FFC];
	_ =	sdelay $0x3  }
0x96: {  	_ =	strace s5  }
0x97: {  	s5 =	sld [smem:$0x3FFD];
	_ =	sdelay $0x3  }
0x98: {  	_ =	strace s5  }
0x99: {  	_ =	strace $0x8FFFFFFF  }
0x9a: {  	s19 =	sld [smem:$0x3FDB];
	_ =	sdelay $0x1  }
0x9b: {  	s6 =	simm.s32 $_scs_section_size  }
0x9c: {  	s7 =	simm.s32 $_size__tile_overlayer_lowered;
	s8 =	simm.s32 $_tile_overlayer_lowered  }
0x9d: {  	s22 =	simm.s32 $0x1BFF;
	s21 =	sshll.u32 s8, $0x1;
	s5 =	sadd.s32 s6, s19  }
0x9e: {  	s9 =	simm.s32 $0x0;
	s20 =	sshll.u32 s7, $0x1;
	s7 =	sadd.s32 s21, s5  }
0x9f: {  	[timem:s9], [sflag:s22] =	dma.local [hbm:s7], s20  }
0xa0: {  	_ =	swait.ge [sflag:s22], s20  }
0xa1: {  	s6 =	ssub.s32 $0x0, s20;
	[sflag:s22] =	ssyncset.done $0x0  }
0xa2: {  	[sflag:s22] =	ssyncadd.s32 s6;
	_ =	sdelay $0x1  }
0xa3: {  	s23 =	simm.s32 $0x1B8B  }
0xa4: {  	_ =	swait.ge [sflag:s23], $0x1  }
0xa5: {  	[sflag:s23] =	ssyncset.done $0x0  }
0xa6: {  	s25 =	simm.s32 $0x1B8E;
	s24 =	sld [smem:$0x3FFE];
	[sflag:s23] =	ssyncadd.s32 $0xFFFFFFFF  }
0xa7: {  	s26 =	simm.s32 $execute0_lowered;
	[smem:$0x3FD2] =	sst s25  }
0xa8: {  	s7 =	sshll.u32 s26, $0x1;
	_ =	strace $0x80000046;
	[dreg:$0x1] =	wrdreg $0xFFFFFFFF  }
0xa9: {  	s28 =	simm.s32 $_size_execute0_lowered;
	s5 =	sadd.s32 s5, s7;
	[dreg:$0x0] =	wrdreg $0x0  }
0xaa: {  	s7 =	sshll.u32 s28, $0x1;
	[dreg:$0x2] =	wrdreg s5  }
0xab: {  	[dreg:$0x3] =	wrdreg s7  }
0xac: {  	[dreg:$0x4] =	wrdreg $0xC0  }
0xad: {  	_ =	task [dreg:s9], $0x5FFFF  }
0xae: {  	[dreg:$0x1] =	wrdreg $0xFFFFFFFF  }
0xaf: {  	[dreg:$0x0] =	wrdreg $0x60  }
0xb0: {  	[dreg:$0x2] =	wrdreg s24  }
0xb1: {  	[dreg:$0x3] =	wrdreg s4  }
0xb2: {  	[dreg:$0x4] =	wrdreg s2  }
0xb3: {  	[dreg:$0x5] =	wrdreg s18  }
0xb4: {  	[dreg:$0x6] =	wrdreg $0x9  }
0xb5: {  	_ =	task.clear_ibuf [dreg:s9], $0x7FFFF;
	_ =	strace $0x90000046  }
0xb6: {  	s29 =	simm.s32 $0x9;
	_ =	strace $0x80000048  }
0xb7: {  	_ =	swait.ge [sflag:s29], $0x1  }
0xb8: {  	[sflag:s29] =	ssyncadd.s32 $0xFFFFFFFF  }
0xb9: {  	_ =	strace $0x90000048  }
0xba: {  	_ =	sfence  }
0xbb: {  	s30 =	sld [smem:$0x0];
	_ =	sdelay $0x2  }
0xbc: {  	s31 =	sshll.u32 s1, $0xD;
	s1 =	sshrl.u32 s1, $0x2  }
0xbd: {  	s3 =	sand.u32 $0x4000, s31;
	s1 =	sadd.s32 s1, s30  }
0xbe: {  	s0 =	sor.u32 s3, s0;
	s1 =	sshll.u32 s1, $0x11  }
0xbf: {  	s0 =	sor.u32 s1, s0  }
0xc0: {  	s0 =	sadd.s32 $0x8F2B, s0  }
0xc1: {  	[sflag:s0] =	ssyncadd.remote.s32 $0x1  }
0xc2: {  	_ =	sfence.sel $0xFFFF  }
0xc3: {  	[dreg:$0x0] =	wrdreg $0xFFFFFFFF;
	(pc) =	sbr.abs _section_cstart, $3  }
0xc4: {  	[dreg:$0x1] =	wrdreg $0xFFFFFFFF  }
0xc5: {  	_ =	task.clear_ibuf [dreg:s9], $0x2FFFF;
	_ =	strace $0x9FFFFFFF  }
0xc6: {  	(tm) =	ssettm $0x7FFFFFFF  }
0xc7: {  	_ =	shalt  }
tec
execute0_lowered:
.L_overlay_start_1:
0x0: {  	(tag) =	ssettag $0x1  }
0x1: {  	s0 =	rddreg [dreg:$0x0]  }
0x2: {  	s1 =	rddreg [dreg:$0x1]  }
0x3: {  	s3 =	rddreg [dreg:$0x2]  }
0x4: {  	s4 =	rddreg [dreg:$0x3]  }
0x5: {  	s6 =	srdreg.scid;
	s2 =	stileid.u32;
	s5 =	simm.s32 $0x0  }
0x6: {  	s13 =	simm.s32 $0x5;
	s14 =	simm.s32 $0x80;
	s15 =	simm.s32 $0x50  }
0x7: {  	s16 =	simm.s32 $0x100;
	s17 =	simm.s32 $0x2900;
	s18 =	simm.s32 $0x5100  }
0x8: {  	s19 =	simm.s32 $0x5180;
	s20 =	simm.s32 $0x5200;
	s21 =	simm.s32 $0x7A00  }
0x9: {  	s22 =	simm.s32 $0x1;
	s23 =	simm.s32 $0x2;
	s24 =	simm.s32 $0x3  }
0xa: {  	s25 =	simm.s32 $0x4;
	s7 =	sand.u32 $0x1, s6;
	s29 =	sshll.u32 s2, $0x1  }
0xb: {  	s26 =	simm.s32 $0x0;
	[smem:$0x7FF] =	sst s5;
	s8 =	sor.u32 s7, s29  }
0xc: {  	s6 =	sadd.s32 $0x3200, s0;
	s10 =	ssub.s32 $0x2, s7;
	s9 =	smul.u32 $0x138800, s8  }
0xd: {  	_ =	strace $0x80000047;
	s7 =	smul.u32 $0x2710, s8;
	s30 =	sshrl.u32 s10, $0x1  }
0xe: {  	s8 =	sadd.s32 $0x2A400, s0;
	s0 =	ssub.s32 s10, s30;
	s9 =	sshrl.u32 s9, $0x3  }
0xf: {  	s31 =	sshrl.u32 s7, $0x3;
	s12 =	smax.u32 s0, $0x1;
	s11 =	sadd.s32 s8, s9  }
0x10: {  	s9 =	sadd.s32 s3, s31;
	s10 =	sadd.s32 s4, s31;
	s11 =	sadd.s32 $0x26C00, s11  }
.LBB2_1:
0x11: {  	[tilespmem:s5], [sflag:$0x5] =	stream.linear.gather [hbm4b:s9+s5], $0x50, $0x38;
	[tilespmem:$0xA200] =	vst v63  }
0x12: {  	_ =	swait.ge [sflag:s13], $0x50  }
0x13: {  	[sflag:s13] =	ssyncset.done $0x0  }
0x14: {  	[sflag:s13] =	ssyncadd.s32 $0xFFFFFFB0  }
0x15: {  	[tilespmem:s14], [sflag:$0x5] =	stream.linear.gather [hbm4b:s10+s5], $0x50, $0x38;
	[tilespmem:$0xA200] =	vst v63  }
0x16: {  	_ =	swait.ge [sflag:s13], $0x50  }
0x17: {  	[sflag:s13] =	ssyncset.done $0x0  }
0x18: {  	[sflag:s13] =	ssyncadd.s32 $0xFFFFFFB0  }
0x19: {  	[tilespmem:s16], [sflag:$0x1] =	stream.indirect.gather [hbm4b:s6+s15], $0x80, s5, s15, $0xb8;
	[tilespmem:$0xA200] =	vst v63  }
0x1a: {  	s28 =	simm.s32 $0x0  }
0x1b: {  	[tilespmem:s17], [sflag:$0x2] =	stream.indirect.gather [hbm4b:s1+s15], $0x80, s14, s15, $0xb8;
	[tilespmem:$0xA200] =	vst v63  }
.LBB2_2:
0x1c: {  	s0 =	smul.u32 $0xA0, s28;
	_ =	sdelay $0x1  }
0x1d: {  	s30 =	sadd.s32 s7, s0  }
0x1e: {  	s29 =	sadd.s32 $0x50, s30  }
0x1f: {  	s0 =	sshrl.u32 s29, $0x3  }
0x20: {  	s2 =	simm.s32 $0x0;
	s31 =	sadd.s32 s3, s0  }
0x21: {  	[tilespmem:s18], [sflag:$0x5] =	stream.linear.gather [hbm4b:s31+s2], $0x50, $0x38;
	[tilespmem:$0xA200] =	vst v63  }
0x22: {  	_ =	swait.ge [sflag:s13], $0x50  }
0x23: {  	[sflag:s13] =	ssyncset.done $0x0  }
0x24: {  	s0 =	sadd.s32 s4, s0;
	[sflag:s13] =	ssyncadd.s32 $0xFFFFFFB0  }
0x25: {  	[tilespmem:s19], [sflag:$0x5] =	stream.linear.gather [hbm4b:s0+s2], $0x50, $0x38;
	[tilespmem:$0xA200] =	vst v63  }
0x26: {  	_ =	swait.ge [sflag:s13], $0x50  }
0x27: {  	[sflag:s13] =	ssyncset.done $0x0  }
0x28: {  	[sflag:s13] =	ssyncadd.s32 $0xFFFFFFB0  }
0x29: {  	[tilespmem:s20], [sflag:$0x3] =	stream.indirect.gather [hbm4b:s6+s15], $0x80, s18, s15, $0xb8;
	[tilespmem:$0xA200] =	vst v63  }
0x2a: {  	_ = 	snop  }
0x2b: {  	[tilespmem:s21], [sflag:$0x4] =	stream.indirect.gather [hbm4b:s1+s15], $0x80, s19, s15, $0xb8;
	[tilespmem:$0xA200] =	vst v63  }
0x2c: {  	_ =	swait.ge [sflag:s22], $0x2800  }
0x2d: {  	[sflag:s22] =	ssyncset.done $0x0  }
0x2e: {  	[sflag:s22] =	ssyncadd.s32 $0xFFFFD800  }
0x2f: {  	_ =	swait.ge [sflag:s23], $0x2800  }
0x30: {  	[sflag:s23] =	ssyncset.done $0x0  }
0x31: {  	s31 =	simm.s32 $0x0;
	[sflag:s23] =	ssyncadd.s32 $0xFFFFD800  }
0x32: {  	v7 =	vld [tilespmem:s31+$0x2900]  }
0x33: {  	v11 =	vld [tilespmem:s31+$0x2910]  }
0x34: {  	v5 =	vld [tilespmem:s31+$0x2920]  }
0x35: {  	v4 =	vld [tilespmem:s31+$0x2930]  }
0x36: {  	v3 =	vld [tilespmem:s31+$0x2940]  }
0x37: {  	v2 =	vld [tilespmem:s31+$0x2950]  }
0x38: {  	v1 =	vld [tilespmem:s31+$0x2960]  }
0x39: {  	v0 =	vld [tilespmem:s31+$0x2970]  }
0x3a: {  	v12 =	vld [tilespmem:s31+$0x100]  }
0x3b: {  	v13 =	vld [tilespmem:s31+$0x110]  }
0x3c: {  	v10 =	vld [tilespmem:s31+$0x120]  }
0x3d: {  	v9 =	vld [tilespmem:s31+$0x130]  }
0x3e: {  	v8 =	vld [tilespmem:s31+$0x140]  }
0x3f: {  	v6 =	vld [tilespmem:s31+$0x150];
	v12 =	vadd.f32 v7, v12  }
0x40: {  	s0 =	simm.s32 $0x200;
	v11 =	vadd.f32 v11, v13;
	v7 =	vld [tilespmem:s31+$0x160]  }
.LBB2_3:
0x41: {  	s2 =	sshra.s32 s0, $0x2;
	p0 =	sne.s32 s0, $0x9E00;
	[tilespmem:s31+$0x100] =	vst v12;
	v5 =	vadd.f32 v5, v10;
	v10 =	vld [tilespmem:s31+$0x170]  }
0x42: {  	v12 =	vld [tilespmem:s2+$0x2900];
	[tilespmem:s31+$0x110] =	vst v11;
	v4 =	vadd.f32 v4, v9  }
0x43: {  	v11 =	vld [tilespmem:s2+$0x2910];
	[tilespmem:s31+$0x120] =	vst v5;
	v3 =	vadd.f32 v3, v8  }
0x44: {  	v5 =	vld [tilespmem:s2+$0x2920];
	[tilespmem:s31+$0x130] =	vst v4;
	v2 =	vadd.f32 v2, v6  }
0x45: {  	v4 =	vld [tilespmem:s2+$0x2930];
	[tilespmem:s31+$0x140] =	vst v3;
	v1 =	vadd.f32 v1, v7  }
0x46: {  	v3 =	vld [tilespmem:s2+$0x2940];
	[tilespmem:s31+$0x150] =	vst v2;
	v0 =	vadd.f32 v0, v10  }
0x47: {  	v2 =	vld [tilespmem:s2+$0x2950];
	[tilespmem:s31+$0x160] =	vst v1  }
0x48: {  	v1 =	vld [tilespmem:s2+$0x2960];
	[tilespmem:s31+$0x170] =	vst v0;
	s31 =	smov.u32 s2  }
0x49: {  	v0 =	vld [tilespmem:s31+$0x2970]  }
0x4a: {  	v6 =	vld [tilespmem:s31+$0x100]  }
0x4b: {  	v7 =	vld [tilespmem:s31+$0x110]  }
.Ltmp0:
0x4c: {  	v10 =	vld [tilespmem:s31+$0x120];
	(pc) =	sbr.rel @p0 .LBB2_3-.Ltmp0, $4  }
0x4d: {  	v9 =	vld [tilespmem:s31+$0x130]  }
0x4e: {  	v8 =	vld [tilespmem:s31+$0x140]  }
0x4f: {  	v12 =	vadd.f32 v12, v6;
	v6 =	vld [tilespmem:s31+$0x150]  }
0x50: {  	s0 =	sadd.s32 $0x200, s0;
	v11 =	vadd.f32 v11, v7;
	v7 =	vld [tilespmem:s31+$0x160]  }
0x51: {  	[tilespmem:s31+$0x100] =	vst v12;
	v5 =	vadd.f32 v5, v10;
	v10 =	vld [tilespmem:s31+$0x170]  }
0x52: {  	[tilespmem:s31+$0x110] =	vst v11;
	v4 =	vadd.f32 v4, v9  }
0x53: {  	[tilespmem:s31+$0x120] =	vst v5;
	v3 =	vadd.f32 v3, v8  }
0x54: {  	[tilespmem:s31+$0x130] =	vst v4;
	v2 =	vadd.f32 v2, v6  }
0x55: {  	[tilespmem:s31+$0x140] =	vst v3;
	v1 =	vadd.f32 v1, v7  }
0x56: {  	[tilespmem:s31+$0x150] =	vst v2;
	v0 =	vadd.f32 v0, v10  }
0x57: {  	s0 =	sshll.u32 s30, $0x4;
	[tilespmem:s31+$0x160] =	vst v1  }
0x58: {  	s2 =	simm.s32 $0x0;
	s0 =	sadd.s32 s8, s0;
	[tilespmem:s31+$0x170] =	vst v0  }
0x59: {  	[hbm4b:s0+s2] =	stream.linear.scatter [tilespmem:s16], [sflag:$0x5], $0x2800, $0x38;
	[tilespmem:$0xA200] =	vst v63  }
0x5a: {  	s31 =	sshrl.u32 s30, $0x3;
	_ =	swait.ge [sflag:s13], $0x2800  }
0x5b: {  	s0 =	sadd.s32 $0x14, s31;
	[sflag:s13] =	ssyncset.done $0x0  }
0x5c: {  	s30 =	sadd.s32 s3, s0;
	[sflag:s13] =	ssyncadd.s32 $0xFFFFD800  }
0x5d: {  	[tilespmem:s2], [sflag:$0x5] =	stream.linear.gather [hbm4b:s30+s2], $0x50, $0x38;
	[tilespmem:$0xA200] =	vst v63  }
0x5e: {  	_ =	swait.ge [sflag:s13], $0x50  }
0x5f: {  	[sflag:s13] =	ssyncset.done $0x0  }
0x60: {  	s0 =	sadd.s32 s4, s0;
	[sflag:s13] =	ssyncadd.s32 $0xFFFFFFB0  }
0x61: {  	[tilespmem:s14], [sflag:$0x5] =	stream.linear.gather [hbm4b:s0+s2], $0x50, $0x38;
	[tilespmem:$0xA200] =	vst v63  }
0x62: {  	_ =	swait.ge [sflag:s13], $0x50  }
0x63: {  	[sflag:s13] =	ssyncset.done $0x0  }
0x64: {  	[sflag:s13] =	ssyncadd.s32 $0xFFFFFFB0  }
0x65: {  	[tilespmem:s16], [sflag:$0x1] =	stream.indirect.gather [hbm4b:s6+s15], $0x80, s2, s15, $0xb8;
	[tilespmem:$0xA200] =	vst v63  }
0x66: {  	_ = 	snop  }
0x67: {  	[tilespmem:s17], [sflag:$0x2] =	stream.indirect.gather [hbm4b:s1+s15], $0x80, s14, s15, $0xb8;
	[tilespmem:$0xA200] =	vst v63  }
0x68: {  	_ =	swait.ge [sflag:s24], $0x2800  }
0x69: {  	[sflag:s24] =	ssyncset.done $0x0  }
0x6a: {  	[sflag:s24] =	ssyncadd.s32 $0xFFFFD800  }
0x6b: {  	_ =	swait.ge [sflag:s25], $0x2800  }
0x6c: {  	[sflag:s25] =	ssyncset.done $0x0  }
0x6d: {  	s30 =	simm.s32 $0x0;
	[sflag:s25] =	ssyncadd.s32 $0xFFFFD800  }
0x6e: {  	v7 =	vld [tilespmem:s30+$0x7A00]  }
0x6f: {  	v11 =	vld [tilespmem:s30+$0x7A10]  }
0x70: {  	v5 =	vld [tilespmem:s30+$0x7A20]  }
0x71: {  	v4 =	vld [tilespmem:s30+$0x7A30]  }
0x72: {  	v3 =	vld [tilespmem:s30+$0x7A40]  }
0x73: {  	v2 =	vld [tilespmem:s30+$0x7A50]  }
0x74: {  	v1 =	vld [tilespmem:s30+$0x7A60]  }
0x75: {  	v0 =	vld [tilespmem:s30+$0x7A70]  }
0x76: {  	v12 =	vld [tilespmem:s30+$0x5200]  }
0x77: {  	v13 =	vld [tilespmem:s30+$0x5210]  }
0x78: {  	v10 =	vld [tilespmem:s30+$0x5220]  }
0x79: {  	v9 =	vld [tilespmem:s30+$0x5230]  }
0x7a: {  	v8 =	vld [tilespmem:s30+$0x5240]  }
0x7b: {  	v6 =	vld [tilespmem:s30+$0x5250];
	v12 =	vadd.f32 v7, v12  }
0x7c: {  	s0 =	simm.s32 $0x200;
	v11 =	vadd.f32 v11, v13;
	v7 =	vld [tilespmem:s30+$0x5260]  }
.LBB2_5:
0x7d: {  	s2 =	sshra.s32 s0, $0x2;
	p0 =	sne.s32 s0, $0x9E00;
	[tilespmem:s30+$0x5200] =	vst v12;
	v5 =	vadd.f32 v5, v10;
	v10 =	vld [tilespmem:s30+$0x5270]  }
0x7e: {  	v12 =	vld [tilespmem:s2+$0x7A00];
	[tilespmem:s30+$0x5210] =	vst v11;
	v4 =	vadd.f32 v4, v9  }
0x7f: {  	v11 =	vld [tilespmem:s2+$0x7A10];
	[tilespmem:s30+$0x5220] =	vst v5;
	v3 =	vadd.f32 v3, v8  }
0x80: {  	v5 =	vld [tilespmem:s2+$0x7A20];
	[tilespmem:s30+$0x5230] =	vst v4;
	v2 =	vadd.f32 v2, v6  }
0x81: {  	v4 =	vld [tilespmem:s2+$0x7A30];
	[tilespmem:s30+$0x5240] =	vst v3;
	v1 =	vadd.f32 v1, v7  }
0x82: {  	v3 =	vld [tilespmem:s2+$0x7A40];
	[tilespmem:s30+$0x5250] =	vst v2;
	v0 =	vadd.f32 v0, v10  }
0x83: {  	v2 =	vld [tilespmem:s2+$0x7A50];
	[tilespmem:s30+$0x5260] =	vst v1  }
0x84: {  	v1 =	vld [tilespmem:s2+$0x7A60];
	[tilespmem:s30+$0x5270] =	vst v0;
	s30 =	smov.u32 s2  }
0x85: {  	v0 =	vld [tilespmem:s30+$0x7A70]  }
0x86: {  	v6 =	vld [tilespmem:s30+$0x5200]  }
0x87: {  	v7 =	vld [tilespmem:s30+$0x5210]  }
.Ltmp1:
0x88: {  	v10 =	vld [tilespmem:s30+$0x5220];
	(pc) =	sbr.rel @p0 .LBB2_5-.Ltmp1, $4  }
0x89: {  	v9 =	vld [tilespmem:s30+$0x5230]  }
0x8a: {  	v8 =	vld [tilespmem:s30+$0x5240]  }
0x8b: {  	v12 =	vadd.f32 v12, v6;
	v6 =	vld [tilespmem:s30+$0x5250]  }
0x8c: {  	s0 =	sadd.s32 $0x200, s0;
	v11 =	vadd.f32 v11, v7;
	v7 =	vld [tilespmem:s30+$0x5260]  }
0x8d: {  	[tilespmem:s30+$0x5200] =	vst v12;
	v5 =	vadd.f32 v5, v10;
	v63 =	vld [tilespmem:s30+$0x5270]  }
0x8e: {  	[tilespmem:s30+$0x5210] =	vst v11;
	v4 =	vadd.f32 v4, v9  }
0x8f: {  	[tilespmem:s30+$0x5220] =	vst v5;
	v3 =	vadd.f32 v3, v8  }
0x90: {  	[tilespmem:s30+$0x5230] =	vst v4;
	v2 =	vadd.f32 v2, v6  }
0x91: {  	[tilespmem:s30+$0x5240] =	vst v3;
	v1 =	vadd.f32 v1, v7  }
0x92: {  	s28 =	sadd.s32 $0x1, s28;
	[tilespmem:s30+$0x5250] =	vst v2;
	v0 =	vadd.f32 v0, v63  }
0x93: {  	s0 =	sshll.u32 s29, $0x4;
	p0 =	sne.s32 s28, $0x3E;
	[tilespmem:s30+$0x5260] =	vst v1  }
.Ltmp2:
0x94: {  	s0 =	sadd.s32 s8, s0;
	[tilespmem:s30+$0x5270] =	vst v0;
	(pc) =	sbr.rel @p0 .LBB2_2-.Ltmp2, $4  }
0x95: {  	[hbm4b:s0+s5] =	stream.linear.scatter [tilespmem:s20], [sflag:$0x5], $0x2800, $0x38;
	[tilespmem:$0xA200] =	vst v63  }
0x96: {  	_ =	swait.ge [sflag:s13], $0x2800  }
0x97: {  	[sflag:s13] =	ssyncset.done $0x0  }
0x98: {  	[sflag:s13] =	ssyncadd.s32 $0xFFFFD800  }
0x99: {  	_ =	swait.ge [sflag:s22], $0x2800  }
0x9a: {  	[sflag:s22] =	ssyncset.done $0x0  }
0x9b: {  	[sflag:s22] =	ssyncadd.s32 $0xFFFFD800  }
0x9c: {  	_ =	swait.ge [sflag:s23], $0x2800  }
0x9d: {  	[sflag:s23] =	ssyncset.done $0x0  }
0x9e: {  	s28 =	simm.s32 $0x0;
	[sflag:s23] =	ssyncadd.s32 $0xFFFFD800  }
0x9f: {  	v7 =	vld [tilespmem:s28+$0x2900]  }
0xa0: {  	v11 =	vld [tilespmem:s28+$0x2910]  }
0xa1: {  	v5 =	vld [tilespmem:s28+$0x2920]  }
0xa2: {  	v4 =	vld [tilespmem:s28+$0x2930]  }
0xa3: {  	v3 =	vld [tilespmem:s28+$0x2940]  }
0xa4: {  	v2 =	vld [tilespmem:s28+$0x2950]  }
0xa5: {  	v1 =	vld [tilespmem:s28+$0x2960]  }
0xa6: {  	v0 =	vld [tilespmem:s28+$0x2970]  }
0xa7: {  	v12 =	vld [tilespmem:s28+$0x100]  }
0xa8: {  	v13 =	vld [tilespmem:s28+$0x110]  }
0xa9: {  	v10 =	vld [tilespmem:s28+$0x120]  }
0xaa: {  	v9 =	vld [tilespmem:s28+$0x130]  }
0xab: {  	v8 =	vld [tilespmem:s28+$0x140]  }
0xac: {  	v6 =	vld [tilespmem:s28+$0x150];
	v12 =	vadd.f32 v7, v12  }
0xad: {  	s0 =	simm.s32 $0x200;
	v11 =	vadd.f32 v11, v13;
	v7 =	vld [tilespmem:s28+$0x160]  }
.LBB2_8:
0xae: {  	s2 =	sshra.s32 s0, $0x2;
	p0 =	sne.s32 s0, $0x9E00;
	[tilespmem:s28+$0x100] =	vst v12;
	v5 =	vadd.f32 v5, v10;
	v10 =	vld [tilespmem:s28+$0x170]  }
0xaf: {  	v12 =	vld [tilespmem:s2+$0x2900];
	[tilespmem:s28+$0x110] =	vst v11;
	v4 =	vadd.f32 v4, v9  }
0xb0: {  	v11 =	vld [tilespmem:s2+$0x2910];
	[tilespmem:s28+$0x120] =	vst v5;
	v3 =	vadd.f32 v3, v8  }
0xb1: {  	v5 =	vld [tilespmem:s2+$0x2920];
	[tilespmem:s28+$0x130] =	vst v4;
	v2 =	vadd.f32 v2, v6  }
0xb2: {  	v4 =	vld [tilespmem:s2+$0x2930];
	[tilespmem:s28+$0x140] =	vst v3;
	v1 =	vadd.f32 v1, v7  }
0xb3: {  	v3 =	vld [tilespmem:s2+$0x2940];
	[tilespmem:s28+$0x150] =	vst v2;
	v0 =	vadd.f32 v0, v10  }
0xb4: {  	v2 =	vld [tilespmem:s2+$0x2950];
	[tilespmem:s28+$0x160] =	vst v1  }
0xb5: {  	v1 =	vld [tilespmem:s2+$0x2960];
	[tilespmem:s28+$0x170] =	vst v0;
	s28 =	smov.u32 s2  }
0xb6: {  	v0 =	vld [tilespmem:s28+$0x2970]  }
0xb7: {  	v6 =	vld [tilespmem:s28+$0x100]  }
0xb8: {  	v7 =	vld [tilespmem:s28+$0x110]  }
.Ltmp3:
0xb9: {  	v10 =	vld [tilespmem:s28+$0x120];
	(pc) =	sbr.rel @p0 .LBB2_8-.Ltmp3, $4  }
0xba: {  	v9 =	vld [tilespmem:s28+$0x130]  }
0xbb: {  	v8 =	vld [tilespmem:s28+$0x140]  }
0xbc: {  	v12 =	vadd.f32 v12, v6;
	v6 =	vld [tilespmem:s28+$0x150]  }
0xbd: {  	s0 =	sadd.s32 $0x200, s0;
	v11 =	vadd.f32 v11, v7;
	v7 =	vld [tilespmem:s28+$0x160]  }
0xbe: {  	[tilespmem:s28+$0x100] =	vst v12;
	v5 =	vadd.f32 v5, v10;
	v63 =	vld [tilespmem:s28+$0x170]  }
0xbf: {  	[tilespmem:s28+$0x110] =	vst v11;
	v4 =	vadd.f32 v4, v9  }
0xc0: {  	[tilespmem:s28+$0x120] =	vst v5;
	v3 =	vadd.f32 v3, v8  }
0xc1: {  	[tilespmem:s28+$0x130] =	vst v4;
	v2 =	vadd.f32 v2, v6  }
0xc2: {  	[tilespmem:s28+$0x140] =	vst v3;
	v1 =	vadd.f32 v1, v7  }
0xc3: {  	s26 =	sadd.s32 $0x1, s26;
	[tilespmem:s28+$0x150] =	vst v2;
	v0 =	vadd.f32 v0, v63  }
0xc4: {  	p0 =	sne.s32 s26, s12;
	[tilespmem:s28+$0x160] =	vst v1  }
.Ltmp4:
0xc5: {  	[tilespmem:s28+$0x170] =	vst v0;
	(pc) =	sbr.rel @p0 .LBB2_1-.Ltmp4, $4  }
0xc6: {  	[hbm4b:s11+s5] =	stream.linear.scatter [tilespmem:s16], [sflag:$0x5], $0x2800, $0x38;
	[tilespmem:$0xA200] =	vst v63  }
0xc7: {  	_ =	swait.ge [sflag:s13], $0x2800  }
0xc8: {  	[sflag:s13] =	ssyncset.done $0x0  }
0xc9: {  	[sflag:s13] =	ssyncadd.s32 $0xFFFFD800  }
0xca: {  	_ =	sfence.sel $0x180000  }
0xcb: {  	[bflag:$0x0] =	sbarrier.arrive $0xFFFF  }
0xcc: {  	_ =	strace $0x90000047  }
0xcd: {  	s0 =	stileid.u32;
	[bflag:$0x2] =	sbarrier.arrive $0xFFFF  }
0xce: {  	p0 =	sne.s32 s0, $0x0;
	s0 =	rddreg [dreg:$0x4]  }
0xcf: {  	s0 =	sadd.s32 @!p0 $0x100000, s0  }
0xd0: {  	[sflag:s0] =	ssyncadd.tile.s32 @!p0 $0x1;
	_ =	shalt  }
.Lfunc_end2:
_tile_overlayer_lowered:
.L_overlay_start_2:
0xd1: {  	(tag) =	ssettag $0x2  }
0xd2: {  	s0 =	rddreg [dreg:$0x0];
	s2 =	stileid.u32  }
0xd3: {  	s1 =	rddreg [dreg:$0x1];
	p0 =	sne.s32 s2, $0x0  }
0xd4: {  	s3 =	rddreg [dreg:$0x2];
	[bflag:$0x3] =	sbarrier.arrive $0xFFFF;
	s2 =	simm.s32 @!p0 $0x1C05  }
0xd5: {  	[timem:s3], [sflag:s2] =	dma.local @!p0 [hbm:s0], s1  }
0xd6: {  	s0 =	simm.s32 @!p0 $0x5  }
0xd7: {  	_ =	swait.ge @!p0 [sflag:s0], s1  }
0xd8: {  	s1 =	ssub.s32 @!p0 $0x0, s1;
	[sflag:s0] =	ssyncset.done @!p0 $0x0  }
0xd9: {  	[sflag:s0] =	ssyncadd.s32 @!p0 s1  }
0xda: {  	[bflag:$0x3] =	sbarrier.arrive $0xFFFF  }
0xdb: {  	_ =	shalt  }

</sc_bundles>
